<compile_context>
chip_gen: v7x
topology: tpu7x:2x2x1
jax: 0.10.2.dev20260603
libtpu: 0.0.44.dev20260713+nightly
codegen_flags: <defaults>
</compile_context>

<pallas_src>
import functools

import jax
import jax.numpy as jnp
from jax import lax
from jax.experimental import pallas as pl
from jax.experimental.pallas import tpu as pltpu
from jax.experimental.pallas import tpu_sc as plsc

D_MODEL = 768
D_SAE = 24576
N_TOK = 4096
K = 64

BR = 1024
BC = 1024

NW = 32
RPW = N_TOK // NW
NV = D_SAE // 16
NEG_INF_I32 = -2147483648


def _mm_body(x_ref, w_ref, b_ref, o_ref):
    o_ref[...] = jax.lax.dot_general(
        x_ref[...], w_ref[...], (((1,), (1,)), ((), ())),
        preferred_element_type=jnp.float32) + b_ref[...]


def _matmul(x, W, b):
    nr = N_TOK // BR
    nc = D_SAE // BC
    b2 = b.reshape(1, D_SAE)
    return pl.pallas_call(
        _mm_body,
        grid=(nr, nc),
        in_specs=[
            pl.BlockSpec((BR, D_MODEL), lambda r, c: (r, 0)),
            pl.BlockSpec((BC, D_MODEL), lambda r, c: (c, 0)),
            pl.BlockSpec((1, BC), lambda r, c: (0, c)),
        ],
        out_specs=pl.BlockSpec((BR, BC), lambda r, c: (r, c)),
        out_shape=jax.ShapeDtypeStruct((N_TOK, D_SAE), jnp.float32),
    )(x, W, b2)


CAPL = 512
NSLOT = 4


def _sc_body(pre_hbm, out_hbm, row_v, out_v, hist_v, cand_v):
    cid = lax.axis_index("c")
    sid = lax.axis_index("s")
    wid = sid * 2 + cid

    lane = lax.iota(jnp.int32, 16)
    lane128 = lane * 128
    lane256 = lane * 256
    ones = jnp.ones((16,), jnp.int32)
    zeros_i = jnp.zeros((16,), jnp.int32)
    zeros_f = jnp.zeros((16,), jnp.float32)

    def to_m(v):
        bits = lax.bitcast_convert_type(v, jnp.int32)
        return bits ^ (lax.shift_right_arithmetic(bits, 31) & jnp.int32(0x7FFFFFFF))

    def scan_digits(c0, chunk_sum, kk_in, p_in, shift):
        def cond(st):
            c, carry, found, pp, kk = st
            return jnp.logical_and(jnp.logical_not(found), c >= 0)

        def body(st):
            c, carry, found, pp, kk = st
            t16 = chunk_sum(c)
            total = jnp.sum(t16)
            cs = jnp.cumsum(t16)
            s = total - cs + t16
            cumtop = carry + s
            found_now = (carry + total) >= kk
            mask2 = cumtop >= kk
            nm = jnp.sum(mask2.astype(jnp.int32))
            dstar = c * 16 + nm - 1
            cnt_excl = jnp.maximum(
                jnp.max(jnp.where(mask2, jnp.int32(0), cumtop)), carry)
            pp2 = jnp.where(found_now, pp | (dstar << shift), pp)
            kk2 = jnp.where(found_now, kk - cnt_excl, kk)
            carry2 = jnp.where(found_now, carry, carry + total)
            return (c - 1, carry2, jnp.logical_or(found, found_now), pp2, kk2)

        cE, carryE, foundE, p2, k2 = lax.while_loop(
            cond, body, (c0, jnp.int32(0), jnp.bool_(False), p_in, kk_in))
        return foundE, p2, k2

    def per_row(r, carry0):
        row = wid * RPW + r
        pltpu.sync_copy(pre_hbm.at[row], row_v)

        @plsc.parallel_loop(0, NSLOT * 128, unroll=8)
        def _clr1(i):
            hist_v[pl.ds(i * 16, 16)] = zeros_i

        @plsc.parallel_loop(0, NV, unroll=8,
                            carry=jnp.full((16,), NEG_INF_I32, jnp.int32))
        def mxv(i, mx):
            v = row_v[pl.ds(i * 16, 16)]
            m = to_m(v)
            msk = m >= 1
            d = lax.shift_right_arithmetic(m, 24) & jnp.int32(0x7F)
            slot = (i & 3) * 2048
            plsc.addupdate_scatter(hist_v, [slot + lane128 + d], ones, mask=msk)
            return jnp.maximum(mx, jnp.where(msk, m, jnp.int32(NEG_INF_I32)))
        rowmax = jnp.max(mxv)
        c0 = jnp.where(rowmax >= 1,
                       lax.shift_right_arithmetic(rowmax, 28), jnp.int32(-1))

        def chunk_sum1(c):
            t16 = zeros_i
            for slot in range(NSLOT):
                for l in range(16):
                    t16 = t16 + hist_v[pl.ds(slot * 2048 + l * 128 + c * 16, 16)]
            return t16

        found1, p, k = scan_digits(c0, chunk_sum1, jnp.int32(K), jnp.int32(0), 24)
        lo = jnp.where(found1, jnp.maximum(p, 1), jnp.int32(1))
        hi = jnp.where(found1, p + jnp.int32(1 << 24), lo)

        @plsc.parallel_loop(0, NV, unroll=8, carry=zeros_i)
        def cnt_vec(i, ptr):
            v = row_v[pl.ds(i * 16, 16)]
            m = to_m(v)
            keep = m >= lo
            out_v[pl.ds(i * 16, 16)] = jnp.where(keep, v, zeros_f)
            cmask = keep & (m < hi) & (ptr < CAPL)
            plsc.store_scatter(cand_v, [ptr * 16 + lane], i * 16 + lane,
                               mask=cmask)
            return ptr + cmask.astype(jnp.int32)
        maxcnt = jnp.max(cnt_vec)

        def chunk_sum2(c):
            t16 = zeros_i
            for l in range(16):
                t16 = t16 + hist_v[pl.ds(l * 256 + c * 16, 16)]
            return t16

        for shift in (16, 8, 0):
            @plsc.parallel_loop(0, 256, unroll=8)
            def _clr2(i):
                hist_v[pl.ds(i * 16, 16)] = zeros_i

            def cpass(j, c, _shift=shift, _lo=lo, _hi=hi):
                valid = cnt_vec > j
                idxv = cand_v[pl.ds(j * 16, 16)]
                vv = plsc.load_gather(row_v, [idxv], mask=valid)
                m = to_m(vv)
                msk = valid & (m >= _lo) & (m < _hi)
                d = lax.shift_right_arithmetic(m, _shift) & jnp.int32(0xFF)
                plsc.addupdate_scatter(hist_v, [lane256 + d], ones, mask=msk)
                return c
            lax.fori_loop(0, maxcnt, cpass, 0)

            foundR, p, k = scan_digits(jnp.int32(15), chunk_sum2, k, p, shift)
            lo = jnp.where(foundR, jnp.maximum(p, 1), lo)
            hi = jnp.where(foundR, p + jnp.int32(1 << shift), hi)

        t_m = jnp.maximum(p, 1)

        def fpass(j, c):
            valid = cnt_vec > j
            idxv = cand_v[pl.ds(j * 16, 16)]
            vv = plsc.load_gather(row_v, [idxv], mask=valid)
            m = to_m(vv)
            loser = valid & (m < t_m)
            plsc.store_scatter(out_v, [idxv], zeros_f, mask=loser)
            return c
        lax.fori_loop(0, maxcnt, fpass, 0)

        pltpu.sync_copy(out_v, out_hbm.at[row])
        return carry0

    lax.fori_loop(0, RPW, per_row, 0)


def _sc_select(pre):
    mesh = plsc.VectorSubcoreMesh(core_axis_name="c", subcore_axis_name="s")
    f = functools.partial(
        pl.kernel,
        out_type=jax.ShapeDtypeStruct((N_TOK, D_SAE), jnp.float32),
        mesh=mesh,
        compiler_params=pltpu.CompilerParams(needs_layout_passes=False),
        scratch_types=[
            pltpu.VMEM((D_SAE,), jnp.float32),
            pltpu.VMEM((D_SAE,), jnp.float32),
            pltpu.VMEM((NSLOT * 16 * 128,), jnp.int32),
            pltpu.VMEM((CAPL * 16,), jnp.int32),
        ],
    )(_sc_body)
    return f(pre)


def kernel(x, W, b):
    pre = _matmul(x, W, b)
    return _sc_select(pre)

# --- scband reference (transcript-rebuilt; emitter-appended) ---
"""Pipeline reference for scband-encoder-29764123362040 (READ-ONLY COPY).

The authoritative reference and input builder live on the scoring server;
editing this copy changes nothing except your own understanding.
"""

import jax, jax.numpy as jnp
import numpy as np

D_MODEL = 768
D_SAE = 24576
N_TOK = 4096
K = 64


def setup_inputs(seed: int = 0) -> dict:
    key = jax.random.key(seed)
    k1, k2, k3 = jax.random.split(key, 3)
    x = jax.random.normal(k1, (N_TOK, D_MODEL), dtype=jnp.float32)
    W = jax.random.normal(k2, (D_SAE, D_MODEL), dtype=jnp.float32) * (1.0 / np.sqrt(D_MODEL))
    b = jax.random.normal(k3, (D_SAE,), dtype=jnp.float32) * 0.01
    return {"x": x, "W": W, "b": b}


def reference(x, W, b):
    # Linear: pre-activations over the SAE dictionary
    pre = x @ W.T + b  # [N_TOK, D_SAE]
    # TopK activation: keep top-k pre-activations per token, relu them,
    # scatter into a zero tensor (matches torch.topk + scatter_).
    vals, idx = jax.lax.top_k(pre, K)  # [N_TOK, K]
    rows = jnp.arange(pre.shape[0])[:, None]
    out = jnp.zeros_like(pre).at[rows, idx].set(jnp.maximum(vals, 0.0))
    return out

if __name__ == "__main__":
    import jax
    _d = setup_inputs()
    print(jax.jit(kernel)(*tuple(_d.values())))

</pallas_src>

<mosaic_0001>
#map = affine_map<(d0, d1) -> (0, 0)>
module attributes {stable_mosaic.version = 14 : i64} {
  func.func @_sc_body(%arg0: i32, %arg1: i32, %arg2: memref<4096x24576xf32, #tpu.memory_space<hbm>>, %arg3: memref<4096x24576xf32, #tpu.memory_space<hbm>>, %arg4: memref<24576xf32, #tpu.memory_space<vmem>>, %arg5: memref<24576xf32, #tpu.memory_space<vmem>>, %arg6: memref<8192xi32, #tpu.memory_space<vmem>>, %arg7: memref<8192xi32, #tpu.memory_space<vmem>>) attributes {dimension_semantics = [#tpu.dimension_semantics<core_parallel>, #tpu.dimension_semantics<subcore_parallel>], iteration_bounds = array<i64: 2, 16>, scalar_prefetch = 0 : i64, scratch_operands = 4 : i64, tpu.core_type = #tpu.core_type<sc_vector_subcore>, window_params = [{transform_indices = #map}, {transform_indices = #map}]} {
    %mul3A = arith.constant 2 : i32
    %mul3A_0 = arith.muli %arg1, %mul3A : i32
    %add3A = arith.addi %mul3A_0, %arg0 : i32
    %iota3A = tpu.iota {dimensions = array<i32: 0>} : vector<16xi32>
    %mul3A_1 = arith.constant 128 : i32
    %mul3A_2 = vector.broadcast %mul3A_1 : i32 to vector<16xi32>
    %mul3A_3 = arith.muli %iota3A, %mul3A_2 : vector<16xi32>
    %mul3A_4 = arith.constant 256 : i32
    %mul3A_5 = vector.broadcast %mul3A_4 : i32 to vector<16xi32>
    %mul3A_6 = arith.muli %iota3A, %mul3A_5 : vector<16xi32>
    %broadcast_in_dim3A = arith.constant 1 : i32
    %broadcast_in_dim3A_7 = vector.broadcast %broadcast_in_dim3A : i32 to vector<16xi32>
    %broadcast_in_dim3A_8 = arith.constant 0 : i32
    %broadcast_in_dim3A_9 = vector.broadcast %broadcast_in_dim3A_8 : i32 to vector<16xi32>
    %broadcast_in_dim3A_10 = arith.constant 0.000000e+00 : f32
    %broadcast_in_dim3A_11 = vector.broadcast %broadcast_in_dim3A_10 : f32 to vector<16xf32>
    %scan3A = arith.constant 0 : i32
    %scan3A_12 = arith.constant 0 : i32
    %scan3A_13 = arith.constant 128 : i32
    %scan3A_14 = arith.addi %scan3A_12, %scan3A_13 : i32
    %scan3A_15 = arith.constant 1 : i32
    scf.for %scan3A_17 = %scan3A_12 to %scan3A_14 step %scan3A_15  : i32 {
      %mul3A_18 = arith.constant 128 : i32
      %mul3A_19 = arith.muli %add3A, %mul3A_18 : i32
      %add3A_20 = arith.addi %mul3A_19, %scan3A_17 : i32
      "tpu.region"() ({
        %run_scoped3A = tpu.sem_alloc : memref<!tpu.dma_semaphore, #tpu.memory_space<semaphore_mem>>
        %dma_start3A = arith.constant 0 : i32
        %dma_start3A_141 = tpu.memref_slice %arg2[%add3A_20, %dma_start3A] : memref<4096x24576xf32, #tpu.memory_space<hbm>> -> memref<1x24576xf32, #tpu.memory_space<hbm>>
        %dma_start3A_142 = tpu.memref_squeeze %dma_start3A_141 : memref<1x24576xf32, #tpu.memory_space<hbm>> -> memref<24576xf32, #tpu.memory_space<hbm>>
        %dma_start3A_143 = arith.constant 0 : i32
        %dma_start3A_144 = tpu.memref_slice %arg2[%add3A_20, %dma_start3A_143] : memref<4096x24576xf32, #tpu.memory_space<hbm>> -> memref<1x24576xf32, #tpu.memory_space<hbm>>
        %dma_start3A_145 = tpu.memref_squeeze %dma_start3A_144 : memref<1x24576xf32, #tpu.memory_space<hbm>> -> memref<24576xf32, #tpu.memory_space<hbm>>
        tpu.enqueue_dma source(%dma_start3A_145 : memref<24576xf32, #tpu.memory_space<hbm>>) target(%arg4 : memref<24576xf32, #tpu.memory_space<vmem>>) target_semaphore(%run_scoped3A : memref<!tpu.dma_semaphore, #tpu.memory_space<semaphore_mem>>)
        %dma_wait3A = arith.constant 0 : i32
        %dma_wait3A_146 = tpu.memref_slice %arg2[%add3A_20, %dma_wait3A] : memref<4096x24576xf32, #tpu.memory_space<hbm>> -> memref<1x24576xf32, #tpu.memory_space<hbm>>
        %dma_wait3A_147 = tpu.memref_squeeze %dma_wait3A_146 : memref<1x24576xf32, #tpu.memory_space<hbm>> -> memref<24576xf32, #tpu.memory_space<hbm>>
        %dma_wait3A_148 = arith.constant 0 : i32
        %dma_wait3A_149 = tpu.memref_slice %arg2[%add3A_20, %dma_wait3A_148] : memref<4096x24576xf32, #tpu.memory_space<hbm>> -> memref<1x24576xf32, #tpu.memory_space<hbm>>
        %dma_wait3A_150 = tpu.memref_squeeze %dma_wait3A_149 : memref<1x24576xf32, #tpu.memory_space<hbm>> -> memref<24576xf32, #tpu.memory_space<hbm>>
        tpu.wait_dma2 semaphore(%run_scoped3A : memref<!tpu.dma_semaphore, #tpu.memory_space<semaphore_mem>>) src(%dma_wait3A_150 : memref<24576xf32, #tpu.memory_space<hbm>>) dst(%arg4 : memref<24576xf32, #tpu.memory_space<vmem>>)
        tpu.yield
      }) : () -> ()
      %parallel_loop3A = arith.constant 0 : i32
      %parallel_loop3A_21 = arith.constant 512 : i32
      %parallel_loop3A_22 = arith.constant 1 : i32
      scf.for %parallel_loop3A_141 = %parallel_loop3A to %parallel_loop3A_21 step %parallel_loop3A_22  : i32 {
        %parallel_loop3A_142 = arith.constant 16 : i32
        %parallel_loop3A_143 = arith.muli %parallel_loop3A_141, %parallel_loop3A_142 : i32
        %parallel_loop3A_144 = arith.index_cast %parallel_loop3A_143 : i32 to index
        %parallel_loop3A_145 = tpu.vector_load %arg6[%parallel_loop3A_144] {strides = array<i32>} : memref<8192xi32, #tpu.memory_space<vmem>>, vector<16xi32>,
        tpu.vector_store %arg6[%parallel_loop3A_144], %broadcast_in_dim3A_9 {strides = array<i32>} : memref<8192xi32, #tpu.memory_space<vmem>>, vector<16xi32>,
      } {sc.loop_unroll_factor = 8 : i64, sc.parallel_access}
      %broadcast_in_dim3A_23 = arith.constant -2147483648 : i32
      %broadcast_in_dim3A_24 = vector.broadcast %broadcast_in_dim3A_23 : i32 to vector<16xi32>
      %parallel_loop3A_25 = arith.constant 0 : i32
      %parallel_loop3A_26 = arith.constant 1536 : i32
      %parallel_loop3A_27 = arith.constant 1 : i32
      %parallel_loop3A_28 = scf.for %parallel_loop3A_141 = %parallel_loop3A_25 to %parallel_loop3A_26 step %parallel_loop3A_27 iter_args(%parallel_loop3A_142 = %broadcast_in_dim3A_24) -> (vector<16xi32>)  : i32 {
        %parallel_loop3A_143 = arith.constant 16 : i32
        %parallel_loop3A_144 = arith.muli %parallel_loop3A_141, %parallel_loop3A_143 : i32
        %parallel_loop3A_145 = arith.index_cast %parallel_loop3A_144 : i32 to index
        %parallel_loop3A_146 = tpu.vector_load %arg4[%parallel_loop3A_145] {strides = array<i32>} : memref<24576xf32, #tpu.memory_space<vmem>>, vector<16xf32>,
        %parallel_loop3A_147 = tpu.bitcast %parallel_loop3A_146 : vector<16xf32> -> vector<16xi32>
        %parallel_loop3A_148 = arith.constant 31 : i32
        %parallel_loop3A_149 = vector.broadcast %parallel_loop3A_148 : i32 to vector<16xi32>
        %parallel_loop3A_150 = arith.shrsi %parallel_loop3A_147, %parallel_loop3A_149 : vector<16xi32>
        %parallel_loop3A_151 = arith.constant 2147483647 : i32
        %parallel_loop3A_152 = vector.broadcast %parallel_loop3A_151 : i32 to vector<16xi32>
        %parallel_loop3A_153 = arith.andi %parallel_loop3A_150, %parallel_loop3A_152 : vector<16xi32>
        %parallel_loop3A_154 = arith.xori %parallel_loop3A_147, %parallel_loop3A_153 : vector<16xi32>
        %parallel_loop3A_155 = arith.constant 1 : i32
        %parallel_loop3A_156 = vector.broadcast %parallel_loop3A_155 : i32 to vector<16xi32>
        %parallel_loop3A_157 = arith.cmpi sge, %parallel_loop3A_154, %parallel_loop3A_156 : vector<16xi32>
        %parallel_loop3A_158 = arith.constant 24 : i32
        %parallel_loop3A_159 = vector.broadcast %parallel_loop3A_158 : i32 to vector<16xi32>
        %parallel_loop3A_160 = arith.shrsi %parallel_loop3A_154, %parallel_loop3A_159 : vector<16xi32>
        %parallel_loop3A_161 = arith.constant 127 : i32
        %parallel_loop3A_162 = vector.broadcast %parallel_loop3A_161 : i32 to vector<16xi32>
        %parallel_loop3A_163 = arith.andi %parallel_loop3A_160, %parallel_loop3A_162 : vector<16xi32>
        %parallel_loop3A_164 = arith.constant 3 : i32
        %parallel_loop3A_165 = arith.andi %parallel_loop3A_141, %parallel_loop3A_164 : i32
        %parallel_loop3A_166 = arith.constant 2048 : i32
        %parallel_loop3A_167 = arith.muli %parallel_loop3A_165, %parallel_loop3A_166 : i32
        %parallel_loop3A_168 = vector.broadcast %parallel_loop3A_167 : i32 to vector<16xi32>
        %parallel_loop3A_169 = arith.addi %parallel_loop3A_168, %mul3A_3 : vector<16xi32>
        %parallel_loop3A_170 = arith.addi %parallel_loop3A_169, %parallel_loop3A_163 : vector<16xi32>
        tpu.vector_store_idx %arg6[%parallel_loop3A_170], %broadcast_in_dim3A_7 masked %parallel_loop3A_157 {add = true} : memref<8192xi32, #tpu.memory_space<vmem>>[vector<16xi32>], vector<16xi32>, vector<16xi1>
        %parallel_loop3A_171 = arith.constant -2147483648 : i32
        %parallel_loop3A_172 = vector.broadcast %parallel_loop3A_171 : i32 to vector<16xi32>
        %parallel_loop3A_173 = arith.select %parallel_loop3A_157, %parallel_loop3A_154, %parallel_loop3A_172 : vector<16xi1>, vector<16xi32>
        %parallel_loop3A_174 = arith.maxsi %parallel_loop3A_142, %parallel_loop3A_173 : vector<16xi32>
        scf.yield %parallel_loop3A_174 : vector<16xi32>
      } {sc.loop_unroll_factor = 8 : i64, sc.parallel_access}
      %reduce_max3A = arith.constant true
      %reduce_max3A_29 = vector.broadcast %reduce_max3A : i1 to vector<16xi1>
      %reduce_max3A_30 = arith.constant -2147483648 : i32
      %reduce_max3A_31 = vector.broadcast %reduce_max3A_30 : i32 to vector<16xi32>
      %reduce_max3A_32 = arith.xori %parallel_loop3A_28, %reduce_max3A_31 : vector<16xi32>
      %reduce_max3A_33 = tpu.scan <max>, %reduce_max3A_32 masked %reduce_max3A_29 : vector<16xi32>, vector<16xi1> -> vector<16xi32>
      %reduce_max3A_34 = arith.xori %reduce_max3A_33, %reduce_max3A_31 : vector<16xi32>
      %reduce_max3A_35 = vector.extract %reduce_max3A_34[15] : i32 from vector<16xi32>
      %ge3A = arith.constant 1 : i32
      %ge3A_36 = arith.cmpi sge, %reduce_max3A_35, %ge3A : i32
      %shift_right_arithmetic3A = arith.constant 28 : i32
      %shift_right_arithmetic3A_37 = arith.shrsi %reduce_max3A_35, %shift_right_arithmetic3A : i32
      %jit3A = arith.constant -1 : i32
      %select_n3A = arith.select %ge3A_36, %shift_right_arithmetic3A_37, %jit3A : i32
      %while3A = arith.constant 0 : i32
      %while3A_38 = arith.constant false
      %while3A_39 = arith.constant 0 : i32
      %while3A_40 = arith.constant 64 : i32
      %while3A_41:5 = scf.while (%while3A_141 = %select_n3A, %while3A_142 = %while3A, %while3A_143 = %while3A_38, %while3A_144 = %while3A_39, %while3A_145 = %while3A_40) : (i32, i32, i1, i32, i32) -> (i32, i32, i1, i32, i32) {
        %not3A = arith.constant true
        %not3A_146 = arith.xori %while3A_143, %not3A : i1
        %ge3A_147 = arith.constant 0 : i32
        %ge3A_148 = arith.cmpi sge, %while3A_141, %ge3A_147 : i32
        %and3A = arith.andi %not3A_146, %ge3A_148 : i1
        scf.condition(%and3A) %while3A_141, %while3A_142, %while3A_143, %while3A_144, %while3A_145 : i32, i32, i1, i32, i32
      } do {
      ^bb0(%while3A_141: i32, %while3A_142: i32, %while3A_143: i1, %while3A_144: i32, %while3A_145: i32):
        %mul3A_146 = arith.constant 16 : i32
        %mul3A_147 = arith.muli %while3A_141, %mul3A_146 : i32
        %add3A_148 = arith.constant 0 : i32
        %add3A_149 = arith.addi %add3A_148, %mul3A_147 : i32
        %get3A = arith.index_cast %add3A_149 : i32 to index
        %get3A_150 = tpu.vector_load %arg6[%get3A] {strides = array<i32>} : memref<8192xi32, #tpu.memory_space<vmem>>, vector<16xi32>,
        %add3A_151 = arith.addi %broadcast_in_dim3A_9, %get3A_150 : vector<16xi32>
        %mul3A_152 = arith.constant 16 : i32
        %mul3A_153 = arith.muli %while3A_141, %mul3A_152 : i32
        %add3A_154 = arith.constant 128 : i32
        %add3A_155 = arith.addi %add3A_154, %mul3A_153 : i32
        %get3A_156 = arith.index_cast %add3A_155 : i32 to index
        %get3A_157 = tpu.vector_load %arg6[%get3A_156] {strides = array<i32>} : memref<8192xi32, #tpu.memory_space<vmem>>, vector<16xi32>,
        %add3A_158 = arith.addi %add3A_151, %get3A_157 : vector<16xi32>
        %mul3A_159 = arith.constant 16 : i32
        %mul3A_160 = arith.muli %while3A_141, %mul3A_159 : i32
        %add3A_161 = arith.constant 256 : i32
        %add3A_162 = arith.addi %add3A_161, %mul3A_160 : i32
        %get3A_163 = arith.index_cast %add3A_162 : i32 to index
        %get3A_164 = tpu.vector_load %arg6[%get3A_163] {strides = array<i32>} : memref<8192xi32, #tpu.memory_space<vmem>>, vector<16xi32>,
        %add3A_165 = arith.addi %add3A_158, %get3A_164 : vector<16xi32>
        %mul3A_166 = arith.constant 16 : i32
        %mul3A_167 = arith.muli %while3A_141, %mul3A_166 : i32
        %add3A_168 = arith.constant 384 : i32
        %add3A_169 = arith.addi %add3A_168, %mul3A_167 : i32
        %get3A_170 = arith.index_cast %add3A_169 : i32 to index
        %get3A_171 = tpu.vector_load %arg6[%get3A_170] {strides = array<i32>} : memref<8192xi32, #tpu.memory_space<vmem>>, vector<16xi32>,
        %add3A_172 = arith.addi %add3A_165, %get3A_171 : vector<16xi32>
        %mul3A_173 = arith.constant 16 : i32
        %mul3A_174 = arith.muli %while3A_141, %mul3A_173 : i32
        %add3A_175 = arith.constant 512 : i32
        %add3A_176 = arith.addi %add3A_175, %mul3A_174 : i32
        %get3A_177 = arith.index_cast %add3A_176 : i32 to index
        %get3A_178 = tpu.vector_load %arg6[%get3A_177] {strides = array<i32>} : memref<8192xi32, #tpu.memory_space<vmem>>, vector<16xi32>,
        %add3A_179 = arith.addi %add3A_172, %get3A_178 : vector<16xi32>
        %mul3A_180 = arith.constant 16 : i32
        %mul3A_181 = arith.muli %while3A_141, %mul3A_180 : i32
        %add3A_182 = arith.constant 640 : i32
        %add3A_183 = arith.addi %add3A_182, %mul3A_181 : i32
        %get3A_184 = arith.index_cast %add3A_183 : i32 to index
        %get3A_185 = tpu.vector_load %arg6[%get3A_184] {strides = array<i32>} : memref<8192xi32, #tpu.memory_space<vmem>>, vector<16xi32>,
        %add3A_186 = arith.addi %add3A_179, %get3A_185 : vector<16xi32>
        %mul3A_187 = arith.constant 16 : i32
        %mul3A_188 = arith.muli %while3A_141, %mul3A_187 : i32
        %add3A_189 = arith.constant 768 : i32
        %add3A_190 = arith.addi %add3A_189, %mul3A_188 : i32
        %get3A_191 = arith.index_cast %add3A_190 : i32 to index
        %get3A_192 = tpu.vector_load %arg6[%get3A_191] {strides = array<i32>} : memref<8192xi32, #tpu.memory_space<vmem>>, vector<16xi32>,
        %add3A_193 = arith.addi %add3A_186, %get3A_192 : vector<16xi32>
        %mul3A_194 = arith.constant 16 : i32
        %mul3A_195 = arith.muli %while3A_141, %mul3A_194 : i32
        %add3A_196 = arith.constant 896 : i32
        %add3A_197 = arith.addi %add3A_196, %mul3A_195 : i32
        %get3A_198 = arith.index_cast %add3A_197 : i32 to index
        %get3A_199 = tpu.vector_load %arg6[%get3A_198] {strides = array<i32>} : memref<8192xi32, #tpu.memory_space<vmem>>, vector<16xi32>,
        %add3A_200 = arith.addi %add3A_193, %get3A_199 : vector<16xi32>
        %mul3A_201 = arith.constant 16 : i32
        %mul3A_202 = arith.muli %while3A_141, %mul3A_201 : i32
        %add3A_203 = arith.constant 1024 : i32
        %add3A_204 = arith.addi %add3A_203, %mul3A_202 : i32
        %get3A_205 = arith.index_cast %add3A_204 : i32 to index
        %get3A_206 = tpu.vector_load %arg6[%get3A_205] {strides = array<i32>} : memref<8192xi32, #tpu.memory_space<vmem>>, vector<16xi32>,
        %add3A_207 = arith.addi %add3A_200, %get3A_206 : vector<16xi32>
        %mul3A_208 = arith.constant 16 : i32
        %mul3A_209 = arith.muli %while3A_141, %mul3A_208 : i32
        %add3A_210 = arith.constant 1152 : i32
        %add3A_211 = arith.addi %add3A_210, %mul3A_209 : i32
        %get3A_212 = arith.index_cast %add3A_211 : i32 to index
        %get3A_213 = tpu.vector_load %arg6[%get3A_212] {strides = array<i32>} : memref<8192xi32, #tpu.memory_space<vmem>>, vector<16xi32>,
        %add3A_214 = arith.addi %add3A_207, %get3A_213 : vector<16xi32>
        %mul3A_215 = arith.constant 16 : i32
        %mul3A_216 = arith.muli %while3A_141, %mul3A_215 : i32
        %add3A_217 = arith.constant 1280 : i32
        %add3A_218 = arith.addi %add3A_217, %mul3A_216 : i32
        %get3A_219 = arith.index_cast %add3A_218 : i32 to index
        %get3A_220 = tpu.vector_load %arg6[%get3A_219] {strides = array<i32>} : memref<8192xi32, #tpu.memory_space<vmem>>, vector<16xi32>,
        %add3A_221 = arith.addi %add3A_214, %get3A_220 : vector<16xi32>
        %mul3A_222 = arith.constant 16 : i32
        %mul3A_223 = arith.muli %while3A_141, %mul3A_222 : i32
        %add3A_224 = arith.constant 1408 : i32
        %add3A_225 = arith.addi %add3A_224, %mul3A_223 : i32
        %get3A_226 = arith.index_cast %add3A_225 : i32 to index
        %get3A_227 = tpu.vector_load %arg6[%get3A_226] {strides = array<i32>} : memref<8192xi32, #tpu.memory_space<vmem>>, vector<16xi32>,
        %add3A_228 = arith.addi %add3A_221, %get3A_227 : vector<16xi32>
        %mul3A_229 = arith.constant 16 : i32
        %mul3A_230 = arith.muli %while3A_141, %mul3A_229 : i32
        %add3A_231 = arith.constant 1536 : i32
        %add3A_232 = arith.addi %add3A_231, %mul3A_230 : i32
        %get3A_233 = arith.index_cast %add3A_232 : i32 to index
        %get3A_234 = tpu.vector_load %arg6[%get3A_233] {strides = array<i32>} : memref<8192xi32, #tpu.memory_space<vmem>>, vector<16xi32>,
        %add3A_235 = arith.addi %add3A_228, %get3A_234 : vector<16xi32>
        %mul3A_236 = arith.constant 16 : i32
        %mul3A_237 = arith.muli %while3A_141, %mul3A_236 : i32
        %add3A_238 = arith.constant 1664 : i32
        %add3A_239 = arith.addi %add3A_238, %mul3A_237 : i32
        %get3A_240 = arith.index_cast %add3A_239 : i32 to index
        %get3A_241 = tpu.vector_load %arg6[%get3A_240] {strides = array<i32>} : memref<8192xi32, #tpu.memory_space<vmem>>, vector<16xi32>,
        %add3A_242 = arith.addi %add3A_235, %get3A_241 : vector<16xi32>
        %mul3A_243 = arith.constant 16 : i32
        %mul3A_244 = arith.muli %while3A_141, %mul3A_243 : i32
        %add3A_245 = arith.constant 1792 : i32
        %add3A_246 = arith.addi %add3A_245, %mul3A_244 : i32
        %get3A_247 = arith.index_cast %add3A_246 : i32 to index
        %get3A_248 = tpu.vector_load %arg6[%get3A_247] {strides = array<i32>} : memref<8192xi32, #tpu.memory_space<vmem>>, vector<16xi32>,
        %add3A_249 = arith.addi %add3A_242, %get3A_248 : vector<16xi32>
        %mul3A_250 = arith.constant 16 : i32
        %mul3A_251 = arith.muli %while3A_141, %mul3A_250 : i32
        %add3A_252 = arith.constant 1920 : i32
        %add3A_253 = arith.addi %add3A_252, %mul3A_251 : i32
        %get3A_254 = arith.index_cast %add3A_253 : i32 to index
        %get3A_255 = tpu.vector_load %arg6[%get3A_254] {strides = array<i32>} : memref<8192xi32, #tpu.memory_space<vmem>>, vector<16xi32>,
        %add3A_256 = arith.addi %add3A_249, %get3A_255 : vector<16xi32>
        %mul3A_257 = arith.constant 16 : i32
        %mul3A_258 = arith.muli %while3A_141, %mul3A_257 : i32
        %add3A_259 = arith.constant 2048 : i32
        %add3A_260 = arith.addi %add3A_259, %mul3A_258 : i32
        %get3A_261 = arith.index_cast %add3A_260 : i32 to index
        %get3A_262 = tpu.vector_load %arg6[%get3A_261] {strides = array<i32>} : memref<8192xi32, #tpu.memory_space<vmem>>, vector<16xi32>,
        %add3A_263 = arith.addi %add3A_256, %get3A_262 : vector<16xi32>
        %mul3A_264 = arith.constant 16 : i32
        %mul3A_265 = arith.muli %while3A_141, %mul3A_264 : i32
        %add3A_266 = arith.constant 2176 : i32
        %add3A_267 = arith.addi %add3A_266, %mul3A_265 : i32
        %get3A_268 = arith.index_cast %add3A_267 : i32 to index
        %get3A_269 = tpu.vector_load %arg6[%get3A_268] {strides = array<i32>} : memref<8192xi32, #tpu.memory_space<vmem>>, vector<16xi32>,
        %add3A_270 = arith.addi %add3A_263, %get3A_269 : vector<16xi32>
        %mul3A_271 = arith.constant 16 : i32
        %mul3A_272 = arith.muli %while3A_141, %mul3A_271 : i32
        %add3A_273 = arith.constant 2304 : i32
        %add3A_274 = arith.addi %add3A_273, %mul3A_272 : i32
        %get3A_275 = arith.index_cast %add3A_274 : i32 to index
        %get3A_276 = tpu.vector_load %arg6[%get3A_275] {strides = array<i32>} : memref<8192xi32, #tpu.memory_space<vmem>>, vector<16xi32>,
        %add3A_277 = arith.addi %add3A_270, %get3A_276 : vector<16xi32>
        %mul3A_278 = arith.constant 16 : i32
        %mul3A_279 = arith.muli %while3A_141, %mul3A_278 : i32
        %add3A_280 = arith.constant 2432 : i32
        %add3A_281 = arith.addi %add3A_280, %mul3A_279 : i32
        %get3A_282 = arith.index_cast %add3A_281 : i32 to index
        %get3A_283 = tpu.vector_load %arg6[%get3A_282] {strides = array<i32>} : memref<8192xi32, #tpu.memory_space<vmem>>, vector<16xi32>,
        %add3A_284 = arith.addi %add3A_277, %get3A_283 : vector<16xi32>
        %mul3A_285 = arith.constant 16 : i32
        %mul3A_286 = arith.muli %while3A_141, %mul3A_285 : i32
        %add3A_287 = arith.constant 2560 : i32
        %add3A_288 = arith.addi %add3A_287, %mul3A_286 : i32
        %get3A_289 = arith.index_cast %add3A_288 : i32 to index
        %get3A_290 = tpu.vector_load %arg6[%get3A_289] {strides = array<i32>} : memref<8192xi32, #tpu.memory_space<vmem>>, vector<16xi32>,
        %add3A_291 = arith.addi %add3A_284, %get3A_290 : vector<16xi32>
        %mul3A_292 = arith.constant 16 : i32
        %mul3A_293 = arith.muli %while3A_141, %mul3A_292 : i32
        %add3A_294 = arith.constant 2688 : i32
        %add3A_295 = arith.addi %add3A_294, %mul3A_293 : i32
        %get3A_296 = arith.index_cast %add3A_295 : i32 to index
        %get3A_297 = tpu.vector_load %arg6[%get3A_296] {strides = array<i32>} : memref<8192xi32, #tpu.memory_space<vmem>>, vector<16xi32>,
        %add3A_298 = arith.addi %add3A_291, %get3A_297 : vector<16xi32>
        %mul3A_299 = arith.constant 16 : i32
        %mul3A_300 = arith.muli %while3A_141, %mul3A_299 : i32
        %add3A_301 = arith.constant 2816 : i32
        %add3A_302 = arith.addi %add3A_301, %mul3A_300 : i32
        %get3A_303 = arith.index_cast %add3A_302 : i32 to index
        %get3A_304 = tpu.vector_load %arg6[%get3A_303] {strides = array<i32>} : memref<8192xi32, #tpu.memory_space<vmem>>, vector<16xi32>,
        %add3A_305 = arith.addi %add3A_298, %get3A_304 : vector<16xi32>
        %mul3A_306 = arith.constant 16 : i32
        %mul3A_307 = arith.muli %while3A_141, %mul3A_306 : i32
        %add3A_308 = arith.constant 2944 : i32
        %add3A_309 = arith.addi %add3A_308, %mul3A_307 : i32
        %get3A_310 = arith.index_cast %add3A_309 : i32 to index
        %get3A_311 = tpu.vector_load %arg6[%get3A_310] {strides = array<i32>} : memref<8192xi32, #tpu.memory_space<vmem>>, vector<16xi32>,
        %add3A_312 = arith.addi %add3A_305, %get3A_311 : vector<16xi32>
        %mul3A_313 = arith.constant 16 : i32
        %mul3A_314 = arith.muli %while3A_141, %mul3A_313 : i32
        %add3A_315 = arith.constant 3072 : i32
        %add3A_316 = arith.addi %add3A_315, %mul3A_314 : i32
        %get3A_317 = arith.index_cast %add3A_316 : i32 to index
        %get3A_318 = tpu.vector_load %arg6[%get3A_317] {strides = array<i32>} : memref<8192xi32, #tpu.memory_space<vmem>>, vector<16xi32>,
        %add3A_319 = arith.addi %add3A_312, %get3A_318 : vector<16xi32>
        %mul3A_320 = arith.constant 16 : i32
        %mul3A_321 = arith.muli %while3A_141, %mul3A_320 : i32
        %add3A_322 = arith.constant 3200 : i32
        %add3A_323 = arith.addi %add3A_322, %mul3A_321 : i32
        %get3A_324 = arith.index_cast %add3A_323 : i32 to index
        %get3A_325 = tpu.vector_load %arg6[%get3A_324] {strides = array<i32>} : memref<8192xi32, #tpu.memory_space<vmem>>, vector<16xi32>,
        %add3A_326 = arith.addi %add3A_319, %get3A_325 : vector<16xi32>
        %mul3A_327 = arith.constant 16 : i32
        %mul3A_328 = arith.muli %while3A_141, %mul3A_327 : i32
        %add3A_329 = arith.constant 3328 : i32
        %add3A_330 = arith.addi %add3A_329, %mul3A_328 : i32
        %get3A_331 = arith.index_cast %add3A_330 : i32 to index
        %get3A_332 = tpu.vector_load %arg6[%get3A_331] {strides = array<i32>} : memref<8192xi32, #tpu.memory_space<vmem>>, vector<16xi32>,
        %add3A_333 = arith.addi %add3A_326, %get3A_332 : vector<16xi32>
        %mul3A_334 = arith.constant 16 : i32
        %mul3A_335 = arith.muli %while3A_141, %mul3A_334 : i32
        %add3A_336 = arith.constant 3456 : i32
        %add3A_337 = arith.addi %add3A_336, %mul3A_335 : i32
        %get3A_338 = arith.index_cast %add3A_337 : i32 to index
        %get3A_339 = tpu.vector_load %arg6[%get3A_338] {strides = array<i32>} : memref<8192xi32, #tpu.memory_space<vmem>>, vector<16xi32>,
        %add3A_340 = arith.addi %add3A_333, %get3A_339 : vector<16xi32>
        %mul3A_341 = arith.constant 16 : i32
        %mul3A_342 = arith.muli %while3A_141, %mul3A_341 : i32
        %add3A_343 = arith.constant 3584 : i32
        %add3A_344 = arith.addi %add3A_343, %mul3A_342 : i32
        %get3A_345 = arith.index_cast %add3A_344 : i32 to index
        %get3A_346 = tpu.vector_load %arg6[%get3A_345] {strides = array<i32>} : memref<8192xi32, #tpu.memory_space<vmem>>, vector<16xi32>,
        %add3A_347 = arith.addi %add3A_340, %get3A_346 : vector<16xi32>
        %mul3A_348 = arith.constant 16 : i32
        %mul3A_349 = arith.muli %while3A_141, %mul3A_348 : i32
        %add3A_350 = arith.constant 3712 : i32
        %add3A_351 = arith.addi %add3A_350, %mul3A_349 : i32
        %get3A_352 = arith.index_cast %add3A_351 : i32 to index
        %get3A_353 = tpu.vector_load %arg6[%get3A_352] {strides = array<i32>} : memref<8192xi32, #tpu.memory_space<vmem>>, vector<16xi32>,
        %add3A_354 = arith.addi %add3A_347, %get3A_353 : vector<16xi32>
        %mul3A_355 = arith.constant 16 : i32
        %mul3A_356 = arith.muli %while3A_141, %mul3A_355 : i32
        %add3A_357 = arith.constant 3840 : i32
        %add3A_358 = arith.addi %add3A_357, %mul3A_356 : i32
        %get3A_359 = arith.index_cast %add3A_358 : i32 to index
        %get3A_360 = tpu.vector_load %arg6[%get3A_359] {strides = array<i32>} : memref<8192xi32, #tpu.memory_space<vmem>>, vector<16xi32>,
        %add3A_361 = arith.addi %add3A_354, %get3A_360 : vector<16xi32>
        %mul3A_362 = arith.constant 16 : i32
        %mul3A_363 = arith.muli %while3A_141, %mul3A_362 : i32
        %add3A_364 = arith.constant 3968 : i32
        %add3A_365 = arith.addi %add3A_364, %mul3A_363 : i32
        %get3A_366 = arith.index_cast %add3A_365 : i32 to index
        %get3A_367 = tpu.vector_load %arg6[%get3A_366] {strides = array<i32>} : memref<8192xi32, #tpu.memory_space<vmem>>, vector<16xi32>,
        %add3A_368 = arith.addi %add3A_361, %get3A_367 : vector<16xi32>
        %mul3A_369 = arith.constant 16 : i32
        %mul3A_370 = arith.muli %while3A_141, %mul3A_369 : i32
        %add3A_371 = arith.constant 4096 : i32
        %add3A_372 = arith.addi %add3A_371, %mul3A_370 : i32
        %get3A_373 = arith.index_cast %add3A_372 : i32 to index
        %get3A_374 = tpu.vector_load %arg6[%get3A_373] {strides = array<i32>} : memref<8192xi32, #tpu.memory_space<vmem>>, vector<16xi32>,
        %add3A_375 = arith.addi %add3A_368, %get3A_374 : vector<16xi32>
        %mul3A_376 = arith.constant 16 : i32
        %mul3A_377 = arith.muli %while3A_141, %mul3A_376 : i32
        %add3A_378 = arith.constant 4224 : i32
        %add3A_379 = arith.addi %add3A_378, %mul3A_377 : i32
        %get3A_380 = arith.index_cast %add3A_379 : i32 to index
        %get3A_381 = tpu.vector_load %arg6[%get3A_380] {strides = array<i32>} : memref<8192xi32, #tpu.memory_space<vmem>>, vector<16xi32>,
        %add3A_382 = arith.addi %add3A_375, %get3A_381 : vector<16xi32>
        %mul3A_383 = arith.constant 16 : i32
        %mul3A_384 = arith.muli %while3A_141, %mul3A_383 : i32
        %add3A_385 = arith.constant 4352 : i32
        %add3A_386 = arith.addi %add3A_385, %mul3A_384 : i32
        %get3A_387 = arith.index_cast %add3A_386 : i32 to index
        %get3A_388 = tpu.vector_load %arg6[%get3A_387] {strides = array<i32>} : memref<8192xi32, #tpu.memory_space<vmem>>, vector<16xi32>,
        %add3A_389 = arith.addi %add3A_382, %get3A_388 : vector<16xi32>
        %mul3A_390 = arith.constant 16 : i32
        %mul3A_391 = arith.muli %while3A_141, %mul3A_390 : i32
        %add3A_392 = arith.constant 4480 : i32
        %add3A_393 = arith.addi %add3A_392, %mul3A_391 : i32
        %get3A_394 = arith.index_cast %add3A_393 : i32 to index
        %get3A_395 = tpu.vector_load %arg6[%get3A_394] {strides = array<i32>} : memref<8192xi32, #tpu.memory_space<vmem>>, vector<16xi32>,
        %add3A_396 = arith.addi %add3A_389, %get3A_395 : vector<16xi32>
        %mul3A_397 = arith.constant 16 : i32
        %mul3A_398 = arith.muli %while3A_141, %mul3A_397 : i32
        %add3A_399 = arith.constant 4608 : i32
        %add3A_400 = arith.addi %add3A_399, %mul3A_398 : i32
        %get3A_401 = arith.index_cast %add3A_400 : i32 to index
        %get3A_402 = tpu.vector_load %arg6[%get3A_401] {strides = array<i32>} : memref<8192xi32, #tpu.memory_space<vmem>>, vector<16xi32>,
        %add3A_403 = arith.addi %add3A_396, %get3A_402 : vector<16xi32>
        %mul3A_404 = arith.constant 16 : i32
        %mul3A_405 = arith.muli %while3A_141, %mul3A_404 : i32
        %add3A_406 = arith.constant 4736 : i32
        %add3A_407 = arith.addi %add3A_406, %mul3A_405 : i32
        %get3A_408 = arith.index_cast %add3A_407 : i32 to index
        %get3A_409 = tpu.vector_load %arg6[%get3A_408] {strides = array<i32>} : memref<8192xi32, #tpu.memory_space<vmem>>, vector<16xi32>,
        %add3A_410 = arith.addi %add3A_403, %get3A_409 : vector<16xi32>
        %mul3A_411 = arith.constant 16 : i32
        %mul3A_412 = arith.muli %while3A_141, %mul3A_411 : i32
        %add3A_413 = arith.constant 4864 : i32
        %add3A_414 = arith.addi %add3A_413, %mul3A_412 : i32
        %get3A_415 = arith.index_cast %add3A_414 : i32 to index
        %get3A_416 = tpu.vector_load %arg6[%get3A_415] {strides = array<i32>} : memref<8192xi32, #tpu.memory_space<vmem>>, vector<16xi32>,
        %add3A_417 = arith.addi %add3A_410, %get3A_416 : vector<16xi32>
        %mul3A_418 = arith.constant 16 : i32
        %mul3A_419 = arith.muli %while3A_141, %mul3A_418 : i32
        %add3A_420 = arith.constant 4992 : i32
        %add3A_421 = arith.addi %add3A_420, %mul3A_419 : i32
        %get3A_422 = arith.index_cast %add3A_421 : i32 to index
        %get3A_423 = tpu.vector_load %arg6[%get3A_422] {strides = array<i32>} : memref<8192xi32, #tpu.memory_space<vmem>>, vector<16xi32>,
        %add3A_424 = arith.addi %add3A_417, %get3A_423 : vector<16xi32>
        %mul3A_425 = arith.constant 16 : i32
        %mul3A_426 = arith.muli %while3A_141, %mul3A_425 : i32
        %add3A_427 = arith.constant 5120 : i32
        %add3A_428 = arith.addi %add3A_427, %mul3A_426 : i32
        %get3A_429 = arith.index_cast %add3A_428 : i32 to index
        %get3A_430 = tpu.vector_load %arg6[%get3A_429] {strides = array<i32>} : memref<8192xi32, #tpu.memory_space<vmem>>, vector<16xi32>,
        %add3A_431 = arith.addi %add3A_424, %get3A_430 : vector<16xi32>
        %mul3A_432 = arith.constant 16 : i32
        %mul3A_433 = arith.muli %while3A_141, %mul3A_432 : i32
        %add3A_434 = arith.constant 5248 : i32
        %add3A_435 = arith.addi %add3A_434, %mul3A_433 : i32
        %get3A_436 = arith.index_cast %add3A_435 : i32 to index
        %get3A_437 = tpu.vector_load %arg6[%get3A_436] {strides = array<i32>} : memref<8192xi32, #tpu.memory_space<vmem>>, vector<16xi32>,
        %add3A_438 = arith.addi %add3A_431, %get3A_437 : vector<16xi32>
        %mul3A_439 = arith.constant 16 : i32
        %mul3A_440 = arith.muli %while3A_141, %mul3A_439 : i32
        %add3A_441 = arith.constant 5376 : i32
        %add3A_442 = arith.addi %add3A_441, %mul3A_440 : i32
        %get3A_443 = arith.index_cast %add3A_442 : i32 to index
        %get3A_444 = tpu.vector_load %arg6[%get3A_443] {strides = array<i32>} : memref<8192xi32, #tpu.memory_space<vmem>>, vector<16xi32>,
        %add3A_445 = arith.addi %add3A_438, %get3A_444 : vector<16xi32>
        %mul3A_446 = arith.constant 16 : i32
        %mul3A_447 = arith.muli %while3A_141, %mul3A_446 : i32
        %add3A_448 = arith.constant 5504 : i32
        %add3A_449 = arith.addi %add3A_448, %mul3A_447 : i32
        %get3A_450 = arith.index_cast %add3A_449 : i32 to index
        %get3A_451 = tpu.vector_load %arg6[%get3A_450] {strides = array<i32>} : memref<8192xi32, #tpu.memory_space<vmem>>, vector<16xi32>,
        %add3A_452 = arith.addi %add3A_445, %get3A_451 : vector<16xi32>
        %mul3A_453 = arith.constant 16 : i32
        %mul3A_454 = arith.muli %while3A_141, %mul3A_453 : i32
        %add3A_455 = arith.constant 5632 : i32
        %add3A_456 = arith.addi %add3A_455, %mul3A_454 : i32
        %get3A_457 = arith.index_cast %add3A_456 : i32 to index
        %get3A_458 = tpu.vector_load %arg6[%get3A_457] {strides = array<i32>} : memref<8192xi32, #tpu.memory_space<vmem>>, vector<16xi32>,
        %add3A_459 = arith.addi %add3A_452, %get3A_458 : vector<16xi32>
        %mul3A_460 = arith.constant 16 : i32
        %mul3A_461 = arith.muli %while3A_141, %mul3A_460 : i32
        %add3A_462 = arith.constant 5760 : i32
        %add3A_463 = arith.addi %add3A_462, %mul3A_461 : i32
        %get3A_464 = arith.index_cast %add3A_463 : i32 to index
        %get3A_465 = tpu.vector_load %arg6[%get3A_464] {strides = array<i32>} : memref<8192xi32, #tpu.memory_space<vmem>>, vector<16xi32>,
        %add3A_466 = arith.addi %add3A_459, %get3A_465 : vector<16xi32>
        %mul3A_467 = arith.constant 16 : i32
        %mul3A_468 = arith.muli %while3A_141, %mul3A_467 : i32
        %add3A_469 = arith.constant 5888 : i32
        %add3A_470 = arith.addi %add3A_469, %mul3A_468 : i32
        %get3A_471 = arith.index_cast %add3A_470 : i32 to index
        %get3A_472 = tpu.vector_load %arg6[%get3A_471] {strides = array<i32>} : memref<8192xi32, #tpu.memory_space<vmem>>, vector<16xi32>,
        %add3A_473 = arith.addi %add3A_466, %get3A_472 : vector<16xi32>
        %mul3A_474 = arith.constant 16 : i32
        %mul3A_475 = arith.muli %while3A_141, %mul3A_474 : i32
        %add3A_476 = arith.constant 6016 : i32
        %add3A_477 = arith.addi %add3A_476, %mul3A_475 : i32
        %get3A_478 = arith.index_cast %add3A_477 : i32 to index
        %get3A_479 = tpu.vector_load %arg6[%get3A_478] {strides = array<i32>} : memref<8192xi32, #tpu.memory_space<vmem>>, vector<16xi32>,
        %add3A_480 = arith.addi %add3A_473, %get3A_479 : vector<16xi32>
        %mul3A_481 = arith.constant 16 : i32
        %mul3A_482 = arith.muli %while3A_141, %mul3A_481 : i32
        %add3A_483 = arith.constant 6144 : i32
        %add3A_484 = arith.addi %add3A_483, %mul3A_482 : i32
        %get3A_485 = arith.index_cast %add3A_484 : i32 to index
        %get3A_486 = tpu.vector_load %arg6[%get3A_485] {strides = array<i32>} : memref<8192xi32, #tpu.memory_space<vmem>>, vector<16xi32>,
        %add3A_487 = arith.addi %add3A_480, %get3A_486 : vector<16xi32>
        %mul3A_488 = arith.constant 16 : i32
        %mul3A_489 = arith.muli %while3A_141, %mul3A_488 : i32
        %add3A_490 = arith.constant 6272 : i32
        %add3A_491 = arith.addi %add3A_490, %mul3A_489 : i32
        %get3A_492 = arith.index_cast %add3A_491 : i32 to index
        %get3A_493 = tpu.vector_load %arg6[%get3A_492] {strides = array<i32>} : memref<8192xi32, #tpu.memory_space<vmem>>, vector<16xi32>,
        %add3A_494 = arith.addi %add3A_487, %get3A_493 : vector<16xi32>
        %mul3A_495 = arith.constant 16 : i32
        %mul3A_496 = arith.muli %while3A_141, %mul3A_495 : i32
        %add3A_497 = arith.constant 6400 : i32
        %add3A_498 = arith.addi %add3A_497, %mul3A_496 : i32
        %get3A_499 = arith.index_cast %add3A_498 : i32 to index
        %get3A_500 = tpu.vector_load %arg6[%get3A_499] {strides = array<i32>} : memref<8192xi32, #tpu.memory_space<vmem>>, vector<16xi32>,
        %add3A_501 = arith.addi %add3A_494, %get3A_500 : vector<16xi32>
        %mul3A_502 = arith.constant 16 : i32
        %mul3A_503 = arith.muli %while3A_141, %mul3A_502 : i32
        %add3A_504 = arith.constant 6528 : i32
        %add3A_505 = arith.addi %add3A_504, %mul3A_503 : i32
        %get3A_506 = arith.index_cast %add3A_505 : i32 to index
        %get3A_507 = tpu.vector_load %arg6[%get3A_506] {strides = array<i32>} : memref<8192xi32, #tpu.memory_space<vmem>>, vector<16xi32>,
        %add3A_508 = arith.addi %add3A_501, %get3A_507 : vector<16xi32>
        %mul3A_509 = arith.constant 16 : i32
        %mul3A_510 = arith.muli %while3A_141, %mul3A_509 : i32
        %add3A_511 = arith.constant 6656 : i32
        %add3A_512 = arith.addi %add3A_511, %mul3A_510 : i32
        %get3A_513 = arith.index_cast %add3A_512 : i32 to index
        %get3A_514 = tpu.vector_load %arg6[%get3A_513] {strides = array<i32>} : memref<8192xi32, #tpu.memory_space<vmem>>, vector<16xi32>,
        %add3A_515 = arith.addi %add3A_508, %get3A_514 : vector<16xi32>
        %mul3A_516 = arith.constant 16 : i32
        %mul3A_517 = arith.muli %while3A_141, %mul3A_516 : i32
        %add3A_518 = arith.constant 6784 : i32
        %add3A_519 = arith.addi %add3A_518, %mul3A_517 : i32
        %get3A_520 = arith.index_cast %add3A_519 : i32 to index
        %get3A_521 = tpu.vector_load %arg6[%get3A_520] {strides = array<i32>} : memref<8192xi32, #tpu.memory_space<vmem>>, vector<16xi32>,
        %add3A_522 = arith.addi %add3A_515, %get3A_521 : vector<16xi32>
        %mul3A_523 = arith.constant 16 : i32
        %mul3A_524 = arith.muli %while3A_141, %mul3A_523 : i32
        %add3A_525 = arith.constant 6912 : i32
        %add3A_526 = arith.addi %add3A_525, %mul3A_524 : i32
        %get3A_527 = arith.index_cast %add3A_526 : i32 to index
        %get3A_528 = tpu.vector_load %arg6[%get3A_527] {strides = array<i32>} : memref<8192xi32, #tpu.memory_space<vmem>>, vector<16xi32>,
        %add3A_529 = arith.addi %add3A_522, %get3A_528 : vector<16xi32>
        %mul3A_530 = arith.constant 16 : i32
        %mul3A_531 = arith.muli %while3A_141, %mul3A_530 : i32
        %add3A_532 = arith.constant 7040 : i32
        %add3A_533 = arith.addi %add3A_532, %mul3A_531 : i32
        %get3A_534 = arith.index_cast %add3A_533 : i32 to index
        %get3A_535 = tpu.vector_load %arg6[%get3A_534] {strides = array<i32>} : memref<8192xi32, #tpu.memory_space<vmem>>, vector<16xi32>,
        %add3A_536 = arith.addi %add3A_529, %get3A_535 : vector<16xi32>
        %mul3A_537 = arith.constant 16 : i32
        %mul3A_538 = arith.muli %while3A_141, %mul3A_537 : i32
        %add3A_539 = arith.constant 7168 : i32
        %add3A_540 = arith.addi %add3A_539, %mul3A_538 : i32
        %get3A_541 = arith.index_cast %add3A_540 : i32 to index
        %get3A_542 = tpu.vector_load %arg6[%get3A_541] {strides = array<i32>} : memref<8192xi32, #tpu.memory_space<vmem>>, vector<16xi32>,
        %add3A_543 = arith.addi %add3A_536, %get3A_542 : vector<16xi32>
        %mul3A_544 = arith.constant 16 : i32
        %mul3A_545 = arith.muli %while3A_141, %mul3A_544 : i32
        %add3A_546 = arith.constant 7296 : i32
        %add3A_547 = arith.addi %add3A_546, %mul3A_545 : i32
        %get3A_548 = arith.index_cast %add3A_547 : i32 to index
        %get3A_549 = tpu.vector_load %arg6[%get3A_548] {strides = array<i32>} : memref<8192xi32, #tpu.memory_space<vmem>>, vector<16xi32>,
        %add3A_550 = arith.addi %add3A_543, %get3A_549 : vector<16xi32>
        %mul3A_551 = arith.constant 16 : i32
        %mul3A_552 = arith.muli %while3A_141, %mul3A_551 : i32
        %add3A_553 = arith.constant 7424 : i32
        %add3A_554 = arith.addi %add3A_553, %mul3A_552 : i32
        %get3A_555 = arith.index_cast %add3A_554 : i32 to index
        %get3A_556 = tpu.vector_load %arg6[%get3A_555] {strides = array<i32>} : memref<8192xi32, #tpu.memory_space<vmem>>, vector<16xi32>,
        %add3A_557 = arith.addi %add3A_550, %get3A_556 : vector<16xi32>
        %mul3A_558 = arith.constant 16 : i32
        %mul3A_559 = arith.muli %while3A_141, %mul3A_558 : i32
        %add3A_560 = arith.constant 7552 : i32
        %add3A_561 = arith.addi %add3A_560, %mul3A_559 : i32
        %get3A_562 = arith.index_cast %add3A_561 : i32 to index
        %get3A_563 = tpu.vector_load %arg6[%get3A_562] {strides = array<i32>} : memref<8192xi32, #tpu.memory_space<vmem>>, vector<16xi32>,
        %add3A_564 = arith.addi %add3A_557, %get3A_563 : vector<16xi32>
        %mul3A_565 = arith.constant 16 : i32
        %mul3A_566 = arith.muli %while3A_141, %mul3A_565 : i32
        %add3A_567 = arith.constant 7680 : i32
        %add3A_568 = arith.addi %add3A_567, %mul3A_566 : i32
        %get3A_569 = arith.index_cast %add3A_568 : i32 to index
        %get3A_570 = tpu.vector_load %arg6[%get3A_569] {strides = array<i32>} : memref<8192xi32, #tpu.memory_space<vmem>>, vector<16xi32>,
        %add3A_571 = arith.addi %add3A_564, %get3A_570 : vector<16xi32>
        %mul3A_572 = arith.constant 16 : i32
        %mul3A_573 = arith.muli %while3A_141, %mul3A_572 : i32
        %add3A_574 = arith.constant 7808 : i32
        %add3A_575 = arith.addi %add3A_574, %mul3A_573 : i32
        %get3A_576 = arith.index_cast %add3A_575 : i32 to index
        %get3A_577 = tpu.vector_load %arg6[%get3A_576] {strides = array<i32>} : memref<8192xi32, #tpu.memory_space<vmem>>, vector<16xi32>,
        %add3A_578 = arith.addi %add3A_571, %get3A_577 : vector<16xi32>
        %mul3A_579 = arith.constant 16 : i32
        %mul3A_580 = arith.muli %while3A_141, %mul3A_579 : i32
        %add3A_581 = arith.constant 7936 : i32
        %add3A_582 = arith.addi %add3A_581, %mul3A_580 : i32
        %get3A_583 = arith.index_cast %add3A_582 : i32 to index
        %get3A_584 = tpu.vector_load %arg6[%get3A_583] {strides = array<i32>} : memref<8192xi32, #tpu.memory_space<vmem>>, vector<16xi32>,
        %add3A_585 = arith.addi %add3A_578, %get3A_584 : vector<16xi32>
        %mul3A_586 = arith.constant 16 : i32
        %mul3A_587 = arith.muli %while3A_141, %mul3A_586 : i32
        %add3A_588 = arith.constant 8064 : i32
        %add3A_589 = arith.addi %add3A_588, %mul3A_587 : i32
        %get3A_590 = arith.index_cast %add3A_589 : i32 to index
        %get3A_591 = tpu.vector_load %arg6[%get3A_590] {strides = array<i32>} : memref<8192xi32, #tpu.memory_space<vmem>>, vector<16xi32>,
        %add3A_592 = arith.addi %add3A_585, %get3A_591 : vector<16xi32>
        %reduce_sum3A = arith.constant true
        %reduce_sum3A_593 = vector.broadcast %reduce_sum3A : i1 to vector<16xi1>
        %reduce_sum3A_594 = tpu.scan <sum>, %add3A_592 masked %reduce_sum3A_593 : vector<16xi32>, vector<16xi1> -> vector<16xi32>
        %reduce_sum3A_595 = vector.extract %reduce_sum3A_594[15] : i32 from vector<16xi32>
        %cumsum3A = arith.constant true
        %cumsum3A_596 = vector.broadcast %cumsum3A : i1 to vector<16xi1>
        %cumsum3A_597 = tpu.scan <sum>, %add3A_592 masked %cumsum3A_596 : vector<16xi32>, vector<16xi1> -> vector<16xi32>
        %sub3A = vector.broadcast %reduce_sum3A_595 : i32 to vector<16xi32>
        %sub3A_598 = arith.subi %sub3A, %cumsum3A_597 : vector<16xi32>
        %add3A_599 = arith.addi %sub3A_598, %add3A_592 : vector<16xi32>
        %add3A_600 = vector.broadcast %while3A_142 : i32 to vector<16xi32>
        %add3A_601 = arith.addi %add3A_600, %add3A_599 : vector<16xi32>
        %add3A_602 = arith.addi %while3A_142, %reduce_sum3A_595 : i32
        %ge3A_603 = arith.cmpi sge, %add3A_602, %while3A_145 : i32
        %ge3A_604 = vector.broadcast %while3A_145 : i32 to vector<16xi32>
        %ge3A_605 = arith.cmpi sge, %add3A_601, %ge3A_604 : vector<16xi32>
        %convert_element_type3A = arith.extui %ge3A_605 : vector<16xi1> to vector<16xi32>
        %reduce_sum3A_606 = arith.constant true
        %reduce_sum3A_607 = vector.broadcast %reduce_sum3A_606 : i1 to vector<16xi1>
        %reduce_sum3A_608 = tpu.scan <sum>, %convert_element_type3A masked %reduce_sum3A_607 : vector<16xi32>, vector<16xi1> -> vector<16xi32>
        %reduce_sum3A_609 = vector.extract %reduce_sum3A_608[15] : i32 from vector<16xi32>
        %mul3A_610 = arith.constant 16 : i32
        %mul3A_611 = arith.muli %while3A_141, %mul3A_610 : i32
        %add3A_612 = arith.addi %mul3A_611, %reduce_sum3A_609 : i32
        %sub3A_613 = arith.constant 1 : i32
        %sub3A_614 = arith.subi %add3A_612, %sub3A_613 : i32
        %jit3A_615 = arith.constant 0 : i32
        %broadcast_in_dim3A_616 = vector.broadcast %jit3A_615 : i32 to vector<16xi32>
        %select_n3A_617 = arith.select %ge3A_605, %broadcast_in_dim3A_616, %add3A_601 : vector<16xi1>, vector<16xi32>
        %reduce_max3A_618 = arith.constant true
        %reduce_max3A_619 = vector.broadcast %reduce_max3A_618 : i1 to vector<16xi1>
        %reduce_max3A_620 = arith.constant -2147483648 : i32
        %reduce_max3A_621 = vector.broadcast %reduce_max3A_620 : i32 to vector<16xi32>
        %reduce_max3A_622 = arith.xori %select_n3A_617, %reduce_max3A_621 : vector<16xi32>
        %reduce_max3A_623 = tpu.scan <max>, %reduce_max3A_622 masked %reduce_max3A_619 : vector<16xi32>, vector<16xi1> -> vector<16xi32>
        %reduce_max3A_624 = arith.xori %reduce_max3A_623, %reduce_max3A_621 : vector<16xi32>
        %reduce_max3A_625 = vector.extract %reduce_max3A_624[15] : i32 from vector<16xi32>
        %max3A_626 = arith.maxsi %reduce_max3A_625, %while3A_142 : i32
        %shift_left3A = arith.constant 24 : i32
        %shift_left3A_627 = arith.shli %sub3A_614, %shift_left3A : i32
        %or3A = arith.ori %while3A_144, %shift_left3A_627 : i32
        %select_n3A_628 = arith.select %ge3A_603, %or3A, %while3A_144 : i32
        %sub3A_629 = arith.subi %while3A_145, %max3A_626 : i32
        %select_n3A_630 = arith.select %ge3A_603, %sub3A_629, %while3A_145 : i32
        %add3A_631 = arith.addi %while3A_142, %reduce_sum3A_595 : i32
        %select_n3A_632 = arith.select %ge3A_603, %while3A_142, %add3A_631 : i32
        %sub3A_633 = arith.constant 1 : i32
        %sub3A_634 = arith.subi %while3A_141, %sub3A_633 : i32
        %or3A_635 = arith.ori %while3A_143, %ge3A_603 : i1
        scf.yield %sub3A_634, %select_n3A_632, %or3A_635, %select_n3A_628, %select_n3A_630 : i32, i32, i1, i32, i32
      }
      %max3A = arith.constant 1 : i32
      %max3A_42 = arith.maxsi %while3A_41#3, %max3A : i32
      %jit3A_43 = arith.constant 1 : i32
      %select_n3A_44 = arith.select %while3A_41#2, %max3A_42, %jit3A_43 : i32
      %add3A_45 = arith.constant 16777216 : i32
      %add3A_46 = arith.addi %while3A_41#3, %add3A_45 : i32
      %select_n3A_47 = arith.select %while3A_41#2, %add3A_46, %select_n3A_44 : i32
      %parallel_loop3A_48 = arith.constant 0 : i32
      %parallel_loop3A_49 = arith.constant 1536 : i32
      %parallel_loop3A_50 = arith.constant 1 : i32
      %parallel_loop3A_51 = scf.for %parallel_loop3A_141 = %parallel_loop3A_48 to %parallel_loop3A_49 step %parallel_loop3A_50 iter_args(%parallel_loop3A_142 = %broadcast_in_dim3A_9) -> (vector<16xi32>)  : i32 {
        %parallel_loop3A_143 = arith.constant 16 : i32
        %parallel_loop3A_144 = arith.muli %parallel_loop3A_141, %parallel_loop3A_143 : i32
        %parallel_loop3A_145 = arith.index_cast %parallel_loop3A_144 : i32 to index
        %parallel_loop3A_146 = tpu.vector_load %arg4[%parallel_loop3A_145] {strides = array<i32>} : memref<24576xf32, #tpu.memory_space<vmem>>, vector<16xf32>,
        %parallel_loop3A_147 = tpu.bitcast %parallel_loop3A_146 : vector<16xf32> -> vector<16xi32>
        %parallel_loop3A_148 = arith.constant 31 : i32
        %parallel_loop3A_149 = vector.broadcast %parallel_loop3A_148 : i32 to vector<16xi32>
        %parallel_loop3A_150 = arith.shrsi %parallel_loop3A_147, %parallel_loop3A_149 : vector<16xi32>
        %parallel_loop3A_151 = arith.constant 2147483647 : i32
        %parallel_loop3A_152 = vector.broadcast %parallel_loop3A_151 : i32 to vector<16xi32>
        %parallel_loop3A_153 = arith.andi %parallel_loop3A_150, %parallel_loop3A_152 : vector<16xi32>
        %parallel_loop3A_154 = arith.xori %parallel_loop3A_147, %parallel_loop3A_153 : vector<16xi32>
        %parallel_loop3A_155 = vector.broadcast %select_n3A_44 : i32 to vector<16xi32>
        %parallel_loop3A_156 = arith.cmpi sge, %parallel_loop3A_154, %parallel_loop3A_155 : vector<16xi32>
        %parallel_loop3A_157 = arith.select %parallel_loop3A_156, %parallel_loop3A_146, %broadcast_in_dim3A_11 : vector<16xi1>, vector<16xf32>
        %parallel_loop3A_158 = arith.constant 16 : i32
        %parallel_loop3A_159 = arith.muli %parallel_loop3A_141, %parallel_loop3A_158 : i32
        %parallel_loop3A_160 = arith.index_cast %parallel_loop3A_159 : i32 to index
        %parallel_loop3A_161 = tpu.vector_load %arg5[%parallel_loop3A_160] {strides = array<i32>} : memref<24576xf32, #tpu.memory_space<vmem>>, vector<16xf32>,
        tpu.vector_store %arg5[%parallel_loop3A_160], %parallel_loop3A_157 {strides = array<i32>} : memref<24576xf32, #tpu.memory_space<vmem>>, vector<16xf32>,
        %parallel_loop3A_162 = vector.broadcast %select_n3A_47 : i32 to vector<16xi32>
        %parallel_loop3A_163 = arith.cmpi slt, %parallel_loop3A_154, %parallel_loop3A_162 : vector<16xi32>
        %parallel_loop3A_164 = arith.andi %parallel_loop3A_156, %parallel_loop3A_163 : vector<16xi1>
        %parallel_loop3A_165 = arith.constant 512 : i32
        %parallel_loop3A_166 = vector.broadcast %parallel_loop3A_165 : i32 to vector<16xi32>
        %parallel_loop3A_167 = arith.cmpi slt, %parallel_loop3A_142, %parallel_loop3A_166 : vector<16xi32>
        %parallel_loop3A_168 = arith.andi %parallel_loop3A_164, %parallel_loop3A_167 : vector<16xi1>
        %parallel_loop3A_169 = arith.constant 16 : i32
        %parallel_loop3A_170 = vector.broadcast %parallel_loop3A_169 : i32 to vector<16xi32>
        %parallel_loop3A_171 = arith.muli %parallel_loop3A_142, %parallel_loop3A_170 : vector<16xi32>
        %parallel_loop3A_172 = arith.addi %parallel_loop3A_171, %iota3A : vector<16xi32>
        %parallel_loop3A_173 = arith.constant 16 : i32
        %parallel_loop3A_174 = arith.muli %parallel_loop3A_141, %parallel_loop3A_173 : i32
        %parallel_loop3A_175 = vector.broadcast %parallel_loop3A_174 : i32 to vector<16xi32>
        %parallel_loop3A_176 = arith.addi %parallel_loop3A_175, %iota3A : vector<16xi32>
        tpu.vector_store_idx %arg7[%parallel_loop3A_172], %parallel_loop3A_176 masked %parallel_loop3A_168 : memref<8192xi32, #tpu.memory_space<vmem>>[vector<16xi32>], vector<16xi32>, vector<16xi1>
        %parallel_loop3A_177 = arith.extui %parallel_loop3A_168 : vector<16xi1> to vector<16xi32>
        %parallel_loop3A_178 = arith.addi %parallel_loop3A_142, %parallel_loop3A_177 : vector<16xi32>
        scf.yield %parallel_loop3A_178 : vector<16xi32>
      } {sc.loop_unroll_factor = 8 : i64, sc.parallel_access}
      %reduce_max3A_52 = arith.constant true
      %reduce_max3A_53 = vector.broadcast %reduce_max3A_52 : i1 to vector<16xi1>
      %reduce_max3A_54 = arith.constant -2147483648 : i32
      %reduce_max3A_55 = vector.broadcast %reduce_max3A_54 : i32 to vector<16xi32>
      %reduce_max3A_56 = arith.xori %parallel_loop3A_51, %reduce_max3A_55 : vector<16xi32>
      %reduce_max3A_57 = tpu.scan <max>, %reduce_max3A_56 masked %reduce_max3A_53 : vector<16xi32>, vector<16xi1> -> vector<16xi32>
      %reduce_max3A_58 = arith.xori %reduce_max3A_57, %reduce_max3A_55 : vector<16xi32>
      %reduce_max3A_59 = vector.extract %reduce_max3A_58[15] : i32 from vector<16xi32>
      %parallel_loop3A_60 = arith.constant 0 : i32
      %parallel_loop3A_61 = arith.constant 256 : i32
      %parallel_loop3A_62 = arith.constant 1 : i32
      scf.for %parallel_loop3A_141 = %parallel_loop3A_60 to %parallel_loop3A_61 step %parallel_loop3A_62  : i32 {
        %parallel_loop3A_142 = arith.constant 16 : i32
        %parallel_loop3A_143 = arith.muli %parallel_loop3A_141, %parallel_loop3A_142 : i32
        %parallel_loop3A_144 = arith.index_cast %parallel_loop3A_143 : i32 to index
        %parallel_loop3A_145 = tpu.vector_load %arg6[%parallel_loop3A_144] {strides = array<i32>} : memref<8192xi32, #tpu.memory_space<vmem>>, vector<16xi32>,
        tpu.vector_store %arg6[%parallel_loop3A_144], %broadcast_in_dim3A_9 {strides = array<i32>} : memref<8192xi32, #tpu.memory_space<vmem>>, vector<16xi32>,
      } {sc.loop_unroll_factor = 8 : i64, sc.parallel_access}
      %while3A_63 = arith.constant 0 : i32
      %while3A_64 = arith.constant 0 : i32
      %while3A_65 = arith.subi %reduce_max3A_59, %while3A_64 : i32
      %while3A_66 = arith.addi %while3A_64, %while3A_65 : i32
      %while3A_67 = arith.constant 1 : i32
      %while3A_68 = arith.divsi %while3A_65, %while3A_67 : i32
      %while3A_69 = arith.muli %while3A_68, %while3A_67 : i32
      %while3A_70 = arith.addi %while3A_64, %while3A_69 : i32
      %while3A_71 = arith.constant 1 : i32
      scf.for %while3A_141 = %while3A_64 to %while3A_70 step %while3A_71  : i32 {
        %gt3A = vector.broadcast %while3A_141 : i32 to vector<16xi32>
        %gt3A_142 = arith.cmpi sgt, %parallel_loop3A_51, %gt3A : vector<16xi32>
        %mul3A_143 = arith.constant 16 : i32
        %mul3A_144 = arith.muli %while3A_141, %mul3A_143 : i32
        %get3A = arith.index_cast %mul3A_144 : i32 to index
        %get3A_145 = tpu.vector_load %arg7[%get3A] {strides = array<i32>} : memref<8192xi32, #tpu.memory_space<vmem>>, vector<16xi32>,
        %gather3A = tpu.vector_load_idx %arg4[%get3A_145] masked %gt3A_142 : memref<24576xf32, #tpu.memory_space<vmem>>[vector<16xi32>], vector<16xf32>, vector<16xi1>
        %bitcast_convert_type3A = tpu.bitcast %gather3A : vector<16xf32> -> vector<16xi32>
        %shift_right_arithmetic3A_146 = arith.constant 31 : i32
        %shift_right_arithmetic3A_147 = vector.broadcast %shift_right_arithmetic3A_146 : i32 to vector<16xi32>
        %shift_right_arithmetic3A_148 = arith.shrsi %bitcast_convert_type3A, %shift_right_arithmetic3A_147 : vector<16xi32>
        %and3A = arith.constant 2147483647 : i32
        %and3A_149 = vector.broadcast %and3A : i32 to vector<16xi32>
        %and3A_150 = arith.andi %shift_right_arithmetic3A_148, %and3A_149 : vector<16xi32>
        %xor3A = arith.xori %bitcast_convert_type3A, %and3A_150 : vector<16xi32>
        %ge3A_151 = vector.broadcast %select_n3A_44 : i32 to vector<16xi32>
        %ge3A_152 = arith.cmpi sge, %xor3A, %ge3A_151 : vector<16xi32>
        %and3A_153 = arith.andi %gt3A_142, %ge3A_152 : vector<16xi1>
        %lt3A = vector.broadcast %select_n3A_47 : i32 to vector<16xi32>
        %lt3A_154 = arith.cmpi slt, %xor3A, %lt3A : vector<16xi32>
        %and3A_155 = arith.andi %and3A_153, %lt3A_154 : vector<16xi1>
        %shift_right_arithmetic3A_156 = arith.constant 16 : i32
        %shift_right_arithmetic3A_157 = vector.broadcast %shift_right_arithmetic3A_156 : i32 to vector<16xi32>
        %shift_right_arithmetic3A_158 = arith.shrsi %xor3A, %shift_right_arithmetic3A_157 : vector<16xi32>
        %and3A_159 = arith.constant 255 : i32
        %and3A_160 = vector.broadcast %and3A_159 : i32 to vector<16xi32>
        %and3A_161 = arith.andi %shift_right_arithmetic3A_158, %and3A_160 : vector<16xi32>
        %add3A_162 = arith.addi %mul3A_6, %and3A_161 : vector<16xi32>
        tpu.vector_store_idx %arg6[%add3A_162], %broadcast_in_dim3A_7 masked %and3A_155 {add = true} : memref<8192xi32, #tpu.memory_space<vmem>>[vector<16xi32>], vector<16xi32>, vector<16xi1>
      }
      %while3A_72 = arith.constant 1 : i32
      scf.for %while3A_141 = %while3A_70 to %while3A_66 step %while3A_72  : i32 {
        %gt3A = vector.broadcast %while3A_141 : i32 to vector<16xi32>
        %gt3A_142 = arith.cmpi sgt, %parallel_loop3A_51, %gt3A : vector<16xi32>
        %mul3A_143 = arith.constant 16 : i32
        %mul3A_144 = arith.muli %while3A_141, %mul3A_143 : i32
        %get3A = arith.index_cast %mul3A_144 : i32 to index
        %get3A_145 = tpu.vector_load %arg7[%get3A] {strides = array<i32>} : memref<8192xi32, #tpu.memory_space<vmem>>, vector<16xi32>,
        %gather3A = tpu.vector_load_idx %arg4[%get3A_145] masked %gt3A_142 : memref<24576xf32, #tpu.memory_space<vmem>>[vector<16xi32>], vector<16xf32>, vector<16xi1>
        %bitcast_convert_type3A = tpu.bitcast %gather3A : vector<16xf32> -> vector<16xi32>
        %shift_right_arithmetic3A_146 = arith.constant 31 : i32
        %shift_right_arithmetic3A_147 = vector.broadcast %shift_right_arithmetic3A_146 : i32 to vector<16xi32>
        %shift_right_arithmetic3A_148 = arith.shrsi %bitcast_convert_type3A, %shift_right_arithmetic3A_147 : vector<16xi32>
        %and3A = arith.constant 2147483647 : i32
        %and3A_149 = vector.broadcast %and3A : i32 to vector<16xi32>
        %and3A_150 = arith.andi %shift_right_arithmetic3A_148, %and3A_149 : vector<16xi32>
        %xor3A = arith.xori %bitcast_convert_type3A, %and3A_150 : vector<16xi32>
        %ge3A_151 = vector.broadcast %select_n3A_44 : i32 to vector<16xi32>
        %ge3A_152 = arith.cmpi sge, %xor3A, %ge3A_151 : vector<16xi32>
        %and3A_153 = arith.andi %gt3A_142, %ge3A_152 : vector<16xi1>
        %lt3A = vector.broadcast %select_n3A_47 : i32 to vector<16xi32>
        %lt3A_154 = arith.cmpi slt, %xor3A, %lt3A : vector<16xi32>
        %and3A_155 = arith.andi %and3A_153, %lt3A_154 : vector<16xi1>
        %shift_right_arithmetic3A_156 = arith.constant 16 : i32
        %shift_right_arithmetic3A_157 = vector.broadcast %shift_right_arithmetic3A_156 : i32 to vector<16xi32>
        %shift_right_arithmetic3A_158 = arith.shrsi %xor3A, %shift_right_arithmetic3A_157 : vector<16xi32>
        %and3A_159 = arith.constant 255 : i32
        %and3A_160 = vector.broadcast %and3A_159 : i32 to vector<16xi32>
        %and3A_161 = arith.andi %shift_right_arithmetic3A_158, %and3A_160 : vector<16xi32>
        %add3A_162 = arith.addi %mul3A_6, %and3A_161 : vector<16xi32>
        tpu.vector_store_idx %arg6[%add3A_162], %broadcast_in_dim3A_7 masked %and3A_155 {add = true} : memref<8192xi32, #tpu.memory_space<vmem>>[vector<16xi32>], vector<16xi32>, vector<16xi1>
      }
      %while3A_73 = arith.constant 15 : i32
      %while3A_74 = arith.constant 0 : i32
      %while3A_75 = arith.constant false
      %while3A_76:5 = scf.while (%while3A_141 = %while3A_73, %while3A_142 = %while3A_74, %while3A_143 = %while3A_75, %while3A_144 = %while3A_41#3, %while3A_145 = %while3A_41#4) : (i32, i32, i1, i32, i32) -> (i32, i32, i1, i32, i32) {
        %not3A = arith.constant true
        %not3A_146 = arith.xori %while3A_143, %not3A : i1
        %ge3A_147 = arith.constant 0 : i32
        %ge3A_148 = arith.cmpi sge, %while3A_141, %ge3A_147 : i32
        %and3A = arith.andi %not3A_146, %ge3A_148 : i1
        scf.condition(%and3A) %while3A_141, %while3A_142, %while3A_143, %while3A_144, %while3A_145 : i32, i32, i1, i32, i32
      } do {
      ^bb0(%while3A_141: i32, %while3A_142: i32, %while3A_143: i1, %while3A_144: i32, %while3A_145: i32):
        %mul3A_146 = arith.constant 16 : i32
        %mul3A_147 = arith.muli %while3A_141, %mul3A_146 : i32
        %add3A_148 = arith.constant 0 : i32
        %add3A_149 = arith.addi %add3A_148, %mul3A_147 : i32
        %get3A = arith.index_cast %add3A_149 : i32 to index
        %get3A_150 = tpu.vector_load %arg6[%get3A] {strides = array<i32>} : memref<8192xi32, #tpu.memory_space<vmem>>, vector<16xi32>,
        %add3A_151 = arith.addi %broadcast_in_dim3A_9, %get3A_150 : vector<16xi32>
        %mul3A_152 = arith.constant 16 : i32
        %mul3A_153 = arith.muli %while3A_141, %mul3A_152 : i32
        %add3A_154 = arith.constant 256 : i32
        %add3A_155 = arith.addi %add3A_154, %mul3A_153 : i32
        %get3A_156 = arith.index_cast %add3A_155 : i32 to index
        %get3A_157 = tpu.vector_load %arg6[%get3A_156] {strides = array<i32>} : memref<8192xi32, #tpu.memory_space<vmem>>, vector<16xi32>,
        %add3A_158 = arith.addi %add3A_151, %get3A_157 : vector<16xi32>
        %mul3A_159 = arith.constant 16 : i32
        %mul3A_160 = arith.muli %while3A_141, %mul3A_159 : i32
        %add3A_161 = arith.constant 512 : i32
        %add3A_162 = arith.addi %add3A_161, %mul3A_160 : i32
        %get3A_163 = arith.index_cast %add3A_162 : i32 to index
        %get3A_164 = tpu.vector_load %arg6[%get3A_163] {strides = array<i32>} : memref<8192xi32, #tpu.memory_space<vmem>>, vector<16xi32>,
        %add3A_165 = arith.addi %add3A_158, %get3A_164 : vector<16xi32>
        %mul3A_166 = arith.constant 16 : i32
        %mul3A_167 = arith.muli %while3A_141, %mul3A_166 : i32
        %add3A_168 = arith.constant 768 : i32
        %add3A_169 = arith.addi %add3A_168, %mul3A_167 : i32
        %get3A_170 = arith.index_cast %add3A_169 : i32 to index
        %get3A_171 = tpu.vector_load %arg6[%get3A_170] {strides = array<i32>} : memref<8192xi32, #tpu.memory_space<vmem>>, vector<16xi32>,
        %add3A_172 = arith.addi %add3A_165, %get3A_171 : vector<16xi32>
        %mul3A_173 = arith.constant 16 : i32
        %mul3A_174 = arith.muli %while3A_141, %mul3A_173 : i32
        %add3A_175 = arith.constant 1024 : i32
        %add3A_176 = arith.addi %add3A_175, %mul3A_174 : i32
        %get3A_177 = arith.index_cast %add3A_176 : i32 to index
        %get3A_178 = tpu.vector_load %arg6[%get3A_177] {strides = array<i32>} : memref<8192xi32, #tpu.memory_space<vmem>>, vector<16xi32>,
        %add3A_179 = arith.addi %add3A_172, %get3A_178 : vector<16xi32>
        %mul3A_180 = arith.constant 16 : i32
        %mul3A_181 = arith.muli %while3A_141, %mul3A_180 : i32
        %add3A_182 = arith.constant 1280 : i32
        %add3A_183 = arith.addi %add3A_182, %mul3A_181 : i32
        %get3A_184 = arith.index_cast %add3A_183 : i32 to index
        %get3A_185 = tpu.vector_load %arg6[%get3A_184] {strides = array<i32>} : memref<8192xi32, #tpu.memory_space<vmem>>, vector<16xi32>,
        %add3A_186 = arith.addi %add3A_179, %get3A_185 : vector<16xi32>
        %mul3A_187 = arith.constant 16 : i32
        %mul3A_188 = arith.muli %while3A_141, %mul3A_187 : i32
        %add3A_189 = arith.constant 1536 : i32
        %add3A_190 = arith.addi %add3A_189, %mul3A_188 : i32
        %get3A_191 = arith.index_cast %add3A_190 : i32 to index
        %get3A_192 = tpu.vector_load %arg6[%get3A_191] {strides = array<i32>} : memref<8192xi32, #tpu.memory_space<vmem>>, vector<16xi32>,
        %add3A_193 = arith.addi %add3A_186, %get3A_192 : vector<16xi32>
        %mul3A_194 = arith.constant 16 : i32
        %mul3A_195 = arith.muli %while3A_141, %mul3A_194 : i32
        %add3A_196 = arith.constant 1792 : i32
        %add3A_197 = arith.addi %add3A_196, %mul3A_195 : i32
        %get3A_198 = arith.index_cast %add3A_197 : i32 to index
        %get3A_199 = tpu.vector_load %arg6[%get3A_198] {strides = array<i32>} : memref<8192xi32, #tpu.memory_space<vmem>>, vector<16xi32>,
        %add3A_200 = arith.addi %add3A_193, %get3A_199 : vector<16xi32>
        %mul3A_201 = arith.constant 16 : i32
        %mul3A_202 = arith.muli %while3A_141, %mul3A_201 : i32
        %add3A_203 = arith.constant 2048 : i32
        %add3A_204 = arith.addi %add3A_203, %mul3A_202 : i32
        %get3A_205 = arith.index_cast %add3A_204 : i32 to index
        %get3A_206 = tpu.vector_load %arg6[%get3A_205] {strides = array<i32>} : memref<8192xi32, #tpu.memory_space<vmem>>, vector<16xi32>,
        %add3A_207 = arith.addi %add3A_200, %get3A_206 : vector<16xi32>
        %mul3A_208 = arith.constant 16 : i32
        %mul3A_209 = arith.muli %while3A_141, %mul3A_208 : i32
        %add3A_210 = arith.constant 2304 : i32
        %add3A_211 = arith.addi %add3A_210, %mul3A_209 : i32
        %get3A_212 = arith.index_cast %add3A_211 : i32 to index
        %get3A_213 = tpu.vector_load %arg6[%get3A_212] {strides = array<i32>} : memref<8192xi32, #tpu.memory_space<vmem>>, vector<16xi32>,
        %add3A_214 = arith.addi %add3A_207, %get3A_213 : vector<16xi32>
        %mul3A_215 = arith.constant 16 : i32
        %mul3A_216 = arith.muli %while3A_141, %mul3A_215 : i32
        %add3A_217 = arith.constant 2560 : i32
        %add3A_218 = arith.addi %add3A_217, %mul3A_216 : i32
        %get3A_219 = arith.index_cast %add3A_218 : i32 to index
        %get3A_220 = tpu.vector_load %arg6[%get3A_219] {strides = array<i32>} : memref<8192xi32, #tpu.memory_space<vmem>>, vector<16xi32>,
        %add3A_221 = arith.addi %add3A_214, %get3A_220 : vector<16xi32>
        %mul3A_222 = arith.constant 16 : i32
        %mul3A_223 = arith.muli %while3A_141, %mul3A_222 : i32
        %add3A_224 = arith.constant 2816 : i32
        %add3A_225 = arith.addi %add3A_224, %mul3A_223 : i32
        %get3A_226 = arith.index_cast %add3A_225 : i32 to index
        %get3A_227 = tpu.vector_load %arg6[%get3A_226] {strides = array<i32>} : memref<8192xi32, #tpu.memory_space<vmem>>, vector<16xi32>,
        %add3A_228 = arith.addi %add3A_221, %get3A_227 : vector<16xi32>
        %mul3A_229 = arith.constant 16 : i32
        %mul3A_230 = arith.muli %while3A_141, %mul3A_229 : i32
        %add3A_231 = arith.constant 3072 : i32
        %add3A_232 = arith.addi %add3A_231, %mul3A_230 : i32
        %get3A_233 = arith.index_cast %add3A_232 : i32 to index
        %get3A_234 = tpu.vector_load %arg6[%get3A_233] {strides = array<i32>} : memref<8192xi32, #tpu.memory_space<vmem>>, vector<16xi32>,
        %add3A_235 = arith.addi %add3A_228, %get3A_234 : vector<16xi32>
        %mul3A_236 = arith.constant 16 : i32
        %mul3A_237 = arith.muli %while3A_141, %mul3A_236 : i32
        %add3A_238 = arith.constant 3328 : i32
        %add3A_239 = arith.addi %add3A_238, %mul3A_237 : i32
        %get3A_240 = arith.index_cast %add3A_239 : i32 to index
        %get3A_241 = tpu.vector_load %arg6[%get3A_240] {strides = array<i32>} : memref<8192xi32, #tpu.memory_space<vmem>>, vector<16xi32>,
        %add3A_242 = arith.addi %add3A_235, %get3A_241 : vector<16xi32>
        %mul3A_243 = arith.constant 16 : i32
        %mul3A_244 = arith.muli %while3A_141, %mul3A_243 : i32
        %add3A_245 = arith.constant 3584 : i32
        %add3A_246 = arith.addi %add3A_245, %mul3A_244 : i32
        %get3A_247 = arith.index_cast %add3A_246 : i32 to index
        %get3A_248 = tpu.vector_load %arg6[%get3A_247] {strides = array<i32>} : memref<8192xi32, #tpu.memory_space<vmem>>, vector<16xi32>,
        %add3A_249 = arith.addi %add3A_242, %get3A_248 : vector<16xi32>
        %mul3A_250 = arith.constant 16 : i32
        %mul3A_251 = arith.muli %while3A_141, %mul3A_250 : i32
        %add3A_252 = arith.constant 3840 : i32
        %add3A_253 = arith.addi %add3A_252, %mul3A_251 : i32
        %get3A_254 = arith.index_cast %add3A_253 : i32 to index
        %get3A_255 = tpu.vector_load %arg6[%get3A_254] {strides = array<i32>} : memref<8192xi32, #tpu.memory_space<vmem>>, vector<16xi32>,
        %add3A_256 = arith.addi %add3A_249, %get3A_255 : vector<16xi32>
        %reduce_sum3A = arith.constant true
        %reduce_sum3A_257 = vector.broadcast %reduce_sum3A : i1 to vector<16xi1>
        %reduce_sum3A_258 = tpu.scan <sum>, %add3A_256 masked %reduce_sum3A_257 : vector<16xi32>, vector<16xi1> -> vector<16xi32>
        %reduce_sum3A_259 = vector.extract %reduce_sum3A_258[15] : i32 from vector<16xi32>
        %cumsum3A = arith.constant true
        %cumsum3A_260 = vector.broadcast %cumsum3A : i1 to vector<16xi1>
        %cumsum3A_261 = tpu.scan <sum>, %add3A_256 masked %cumsum3A_260 : vector<16xi32>, vector<16xi1> -> vector<16xi32>
        %sub3A = vector.broadcast %reduce_sum3A_259 : i32 to vector<16xi32>
        %sub3A_262 = arith.subi %sub3A, %cumsum3A_261 : vector<16xi32>
        %add3A_263 = arith.addi %sub3A_262, %add3A_256 : vector<16xi32>
        %add3A_264 = vector.broadcast %while3A_142 : i32 to vector<16xi32>
        %add3A_265 = arith.addi %add3A_264, %add3A_263 : vector<16xi32>
        %add3A_266 = arith.addi %while3A_142, %reduce_sum3A_259 : i32
        %ge3A_267 = arith.cmpi sge, %add3A_266, %while3A_145 : i32
        %ge3A_268 = vector.broadcast %while3A_145 : i32 to vector<16xi32>
        %ge3A_269 = arith.cmpi sge, %add3A_265, %ge3A_268 : vector<16xi32>
        %convert_element_type3A = arith.extui %ge3A_269 : vector<16xi1> to vector<16xi32>
        %reduce_sum3A_270 = arith.constant true
        %reduce_sum3A_271 = vector.broadcast %reduce_sum3A_270 : i1 to vector<16xi1>
        %reduce_sum3A_272 = tpu.scan <sum>, %convert_element_type3A masked %reduce_sum3A_271 : vector<16xi32>, vector<16xi1> -> vector<16xi32>
        %reduce_sum3A_273 = vector.extract %reduce_sum3A_272[15] : i32 from vector<16xi32>
        %mul3A_274 = arith.constant 16 : i32
        %mul3A_275 = arith.muli %while3A_141, %mul3A_274 : i32
        %add3A_276 = arith.addi %mul3A_275, %reduce_sum3A_273 : i32
        %sub3A_277 = arith.constant 1 : i32
        %sub3A_278 = arith.subi %add3A_276, %sub3A_277 : i32
        %jit3A_279 = arith.constant 0 : i32
        %broadcast_in_dim3A_280 = vector.broadcast %jit3A_279 : i32 to vector<16xi32>
        %select_n3A_281 = arith.select %ge3A_269, %broadcast_in_dim3A_280, %add3A_265 : vector<16xi1>, vector<16xi32>
        %reduce_max3A_282 = arith.constant true
        %reduce_max3A_283 = vector.broadcast %reduce_max3A_282 : i1 to vector<16xi1>
        %reduce_max3A_284 = arith.constant -2147483648 : i32
        %reduce_max3A_285 = vector.broadcast %reduce_max3A_284 : i32 to vector<16xi32>
        %reduce_max3A_286 = arith.xori %select_n3A_281, %reduce_max3A_285 : vector<16xi32>
        %reduce_max3A_287 = tpu.scan <max>, %reduce_max3A_286 masked %reduce_max3A_283 : vector<16xi32>, vector<16xi1> -> vector<16xi32>
        %reduce_max3A_288 = arith.xori %reduce_max3A_287, %reduce_max3A_285 : vector<16xi32>
        %reduce_max3A_289 = vector.extract %reduce_max3A_288[15] : i32 from vector<16xi32>
        %max3A_290 = arith.maxsi %reduce_max3A_289, %while3A_142 : i32
        %shift_left3A = arith.constant 16 : i32
        %shift_left3A_291 = arith.shli %sub3A_278, %shift_left3A : i32
        %or3A = arith.ori %while3A_144, %shift_left3A_291 : i32
        %select_n3A_292 = arith.select %ge3A_267, %or3A, %while3A_144 : i32
        %sub3A_293 = arith.subi %while3A_145, %max3A_290 : i32
        %select_n3A_294 = arith.select %ge3A_267, %sub3A_293, %while3A_145 : i32
        %add3A_295 = arith.addi %while3A_142, %reduce_sum3A_259 : i32
        %select_n3A_296 = arith.select %ge3A_267, %while3A_142, %add3A_295 : i32
        %sub3A_297 = arith.constant 1 : i32
        %sub3A_298 = arith.subi %while3A_141, %sub3A_297 : i32
        %or3A_299 = arith.ori %while3A_143, %ge3A_267 : i1
        scf.yield %sub3A_298, %select_n3A_296, %or3A_299, %select_n3A_292, %select_n3A_294 : i32, i32, i1, i32, i32
      }
      %max3A_77 = arith.constant 1 : i32
      %max3A_78 = arith.maxsi %while3A_76#3, %max3A_77 : i32
      %select_n3A_79 = arith.select %while3A_76#2, %max3A_78, %select_n3A_44 : i32
      %add3A_80 = arith.constant 65536 : i32
      %add3A_81 = arith.addi %while3A_76#3, %add3A_80 : i32
      %select_n3A_82 = arith.select %while3A_76#2, %add3A_81, %select_n3A_47 : i32
      %parallel_loop3A_83 = arith.constant 0 : i32
      %parallel_loop3A_84 = arith.constant 256 : i32
      %parallel_loop3A_85 = arith.constant 1 : i32
      scf.for %parallel_loop3A_141 = %parallel_loop3A_83 to %parallel_loop3A_84 step %parallel_loop3A_85  : i32 {
        %parallel_loop3A_142 = arith.constant 16 : i32
        %parallel_loop3A_143 = arith.muli %parallel_loop3A_141, %parallel_loop3A_142 : i32
        %parallel_loop3A_144 = arith.index_cast %parallel_loop3A_143 : i32 to index
        %parallel_loop3A_145 = tpu.vector_load %arg6[%parallel_loop3A_144] {strides = array<i32>} : memref<8192xi32, #tpu.memory_space<vmem>>, vector<16xi32>,
        tpu.vector_store %arg6[%parallel_loop3A_144], %broadcast_in_dim3A_9 {strides = array<i32>} : memref<8192xi32, #tpu.memory_space<vmem>>, vector<16xi32>,
      } {sc.loop_unroll_factor = 8 : i64, sc.parallel_access}
      %while3A_86 = arith.constant 0 : i32
      %while3A_87 = arith.constant 0 : i32
      %while3A_88 = arith.subi %reduce_max3A_59, %while3A_87 : i32
      %while3A_89 = arith.addi %while3A_87, %while3A_88 : i32
      %while3A_90 = arith.constant 1 : i32
      %while3A_91 = arith.divsi %while3A_88, %while3A_90 : i32
      %while3A_92 = arith.muli %while3A_91, %while3A_90 : i32
      %while3A_93 = arith.addi %while3A_87, %while3A_92 : i32
      %while3A_94 = arith.constant 1 : i32
      scf.for %while3A_141 = %while3A_87 to %while3A_93 step %while3A_94  : i32 {
        %gt3A = vector.broadcast %while3A_141 : i32 to vector<16xi32>
        %gt3A_142 = arith.cmpi sgt, %parallel_loop3A_51, %gt3A : vector<16xi32>
        %mul3A_143 = arith.constant 16 : i32
        %mul3A_144 = arith.muli %while3A_141, %mul3A_143 : i32
        %get3A = arith.index_cast %mul3A_144 : i32 to index
        %get3A_145 = tpu.vector_load %arg7[%get3A] {strides = array<i32>} : memref<8192xi32, #tpu.memory_space<vmem>>, vector<16xi32>,
        %gather3A = tpu.vector_load_idx %arg4[%get3A_145] masked %gt3A_142 : memref<24576xf32, #tpu.memory_space<vmem>>[vector<16xi32>], vector<16xf32>, vector<16xi1>
        %bitcast_convert_type3A = tpu.bitcast %gather3A : vector<16xf32> -> vector<16xi32>
        %shift_right_arithmetic3A_146 = arith.constant 31 : i32
        %shift_right_arithmetic3A_147 = vector.broadcast %shift_right_arithmetic3A_146 : i32 to vector<16xi32>
        %shift_right_arithmetic3A_148 = arith.shrsi %bitcast_convert_type3A, %shift_right_arithmetic3A_147 : vector<16xi32>
        %and3A = arith.constant 2147483647 : i32
        %and3A_149 = vector.broadcast %and3A : i32 to vector<16xi32>
        %and3A_150 = arith.andi %shift_right_arithmetic3A_148, %and3A_149 : vector<16xi32>
        %xor3A = arith.xori %bitcast_convert_type3A, %and3A_150 : vector<16xi32>
        %ge3A_151 = vector.broadcast %select_n3A_79 : i32 to vector<16xi32>
        %ge3A_152 = arith.cmpi sge, %xor3A, %ge3A_151 : vector<16xi32>
        %and3A_153 = arith.andi %gt3A_142, %ge3A_152 : vector<16xi1>
        %lt3A = vector.broadcast %select_n3A_82 : i32 to vector<16xi32>
        %lt3A_154 = arith.cmpi slt, %xor3A, %lt3A : vector<16xi32>
        %and3A_155 = arith.andi %and3A_153, %lt3A_154 : vector<16xi1>
        %shift_right_arithmetic3A_156 = arith.constant 8 : i32
        %shift_right_arithmetic3A_157 = vector.broadcast %shift_right_arithmetic3A_156 : i32 to vector<16xi32>
        %shift_right_arithmetic3A_158 = arith.shrsi %xor3A, %shift_right_arithmetic3A_157 : vector<16xi32>
        %and3A_159 = arith.constant 255 : i32
        %and3A_160 = vector.broadcast %and3A_159 : i32 to vector<16xi32>
        %and3A_161 = arith.andi %shift_right_arithmetic3A_158, %and3A_160 : vector<16xi32>
        %add3A_162 = arith.addi %mul3A_6, %and3A_161 : vector<16xi32>
        tpu.vector_store_idx %arg6[%add3A_162], %broadcast_in_dim3A_7 masked %and3A_155 {add = true} : memref<8192xi32, #tpu.memory_space<vmem>>[vector<16xi32>], vector<16xi32>, vector<16xi1>
      }
      %while3A_95 = arith.constant 1 : i32
      scf.for %while3A_141 = %while3A_93 to %while3A_89 step %while3A_95  : i32 {
        %gt3A = vector.broadcast %while3A_141 : i32 to vector<16xi32>
        %gt3A_142 = arith.cmpi sgt, %parallel_loop3A_51, %gt3A : vector<16xi32>
        %mul3A_143 = arith.constant 16 : i32
        %mul3A_144 = arith.muli %while3A_141, %mul3A_143 : i32
        %get3A = arith.index_cast %mul3A_144 : i32 to index
        %get3A_145 = tpu.vector_load %arg7[%get3A] {strides = array<i32>} : memref<8192xi32, #tpu.memory_space<vmem>>, vector<16xi32>,
        %gather3A = tpu.vector_load_idx %arg4[%get3A_145] masked %gt3A_142 : memref<24576xf32, #tpu.memory_space<vmem>>[vector<16xi32>], vector<16xf32>, vector<16xi1>
        %bitcast_convert_type3A = tpu.bitcast %gather3A : vector<16xf32> -> vector<16xi32>
        %shift_right_arithmetic3A_146 = arith.constant 31 : i32
        %shift_right_arithmetic3A_147 = vector.broadcast %shift_right_arithmetic3A_146 : i32 to vector<16xi32>
        %shift_right_arithmetic3A_148 = arith.shrsi %bitcast_convert_type3A, %shift_right_arithmetic3A_147 : vector<16xi32>
        %and3A = arith.constant 2147483647 : i32
        %and3A_149 = vector.broadcast %and3A : i32 to vector<16xi32>
        %and3A_150 = arith.andi %shift_right_arithmetic3A_148, %and3A_149 : vector<16xi32>
        %xor3A = arith.xori %bitcast_convert_type3A, %and3A_150 : vector<16xi32>
        %ge3A_151 = vector.broadcast %select_n3A_79 : i32 to vector<16xi32>
        %ge3A_152 = arith.cmpi sge, %xor3A, %ge3A_151 : vector<16xi32>
        %and3A_153 = arith.andi %gt3A_142, %ge3A_152 : vector<16xi1>
        %lt3A = vector.broadcast %select_n3A_82 : i32 to vector<16xi32>
        %lt3A_154 = arith.cmpi slt, %xor3A, %lt3A : vector<16xi32>
        %and3A_155 = arith.andi %and3A_153, %lt3A_154 : vector<16xi1>
        %shift_right_arithmetic3A_156 = arith.constant 8 : i32
        %shift_right_arithmetic3A_157 = vector.broadcast %shift_right_arithmetic3A_156 : i32 to vector<16xi32>
        %shift_right_arithmetic3A_158 = arith.shrsi %xor3A, %shift_right_arithmetic3A_157 : vector<16xi32>
        %and3A_159 = arith.constant 255 : i32
        %and3A_160 = vector.broadcast %and3A_159 : i32 to vector<16xi32>
        %and3A_161 = arith.andi %shift_right_arithmetic3A_158, %and3A_160 : vector<16xi32>
        %add3A_162 = arith.addi %mul3A_6, %and3A_161 : vector<16xi32>
        tpu.vector_store_idx %arg6[%add3A_162], %broadcast_in_dim3A_7 masked %and3A_155 {add = true} : memref<8192xi32, #tpu.memory_space<vmem>>[vector<16xi32>], vector<16xi32>, vector<16xi1>
      }
      %while3A_96 = arith.constant 15 : i32
      %while3A_97 = arith.constant 0 : i32
      %while3A_98 = arith.constant false
      %while3A_99:5 = scf.while (%while3A_141 = %while3A_96, %while3A_142 = %while3A_97, %while3A_143 = %while3A_98, %while3A_144 = %while3A_76#3, %while3A_145 = %while3A_76#4) : (i32, i32, i1, i32, i32) -> (i32, i32, i1, i32, i32) {
        %not3A = arith.constant true
        %not3A_146 = arith.xori %while3A_143, %not3A : i1
        %ge3A_147 = arith.constant 0 : i32
        %ge3A_148 = arith.cmpi sge, %while3A_141, %ge3A_147 : i32
        %and3A = arith.andi %not3A_146, %ge3A_148 : i1
        scf.condition(%and3A) %while3A_141, %while3A_142, %while3A_143, %while3A_144, %while3A_145 : i32, i32, i1, i32, i32
      } do {
      ^bb0(%while3A_141: i32, %while3A_142: i32, %while3A_143: i1, %while3A_144: i32, %while3A_145: i32):
        %mul3A_146 = arith.constant 16 : i32
        %mul3A_147 = arith.muli %while3A_141, %mul3A_146 : i32
        %add3A_148 = arith.constant 0 : i32
        %add3A_149 = arith.addi %add3A_148, %mul3A_147 : i32
        %get3A = arith.index_cast %add3A_149 : i32 to index
        %get3A_150 = tpu.vector_load %arg6[%get3A] {strides = array<i32>} : memref<8192xi32, #tpu.memory_space<vmem>>, vector<16xi32>,
        %add3A_151 = arith.addi %broadcast_in_dim3A_9, %get3A_150 : vector<16xi32>
        %mul3A_152 = arith.constant 16 : i32
        %mul3A_153 = arith.muli %while3A_141, %mul3A_152 : i32
        %add3A_154 = arith.constant 256 : i32
        %add3A_155 = arith.addi %add3A_154, %mul3A_153 : i32
        %get3A_156 = arith.index_cast %add3A_155 : i32 to index
        %get3A_157 = tpu.vector_load %arg6[%get3A_156] {strides = array<i32>} : memref<8192xi32, #tpu.memory_space<vmem>>, vector<16xi32>,
        %add3A_158 = arith.addi %add3A_151, %get3A_157 : vector<16xi32>
        %mul3A_159 = arith.constant 16 : i32
        %mul3A_160 = arith.muli %while3A_141, %mul3A_159 : i32
        %add3A_161 = arith.constant 512 : i32
        %add3A_162 = arith.addi %add3A_161, %mul3A_160 : i32
        %get3A_163 = arith.index_cast %add3A_162 : i32 to index
        %get3A_164 = tpu.vector_load %arg6[%get3A_163] {strides = array<i32>} : memref<8192xi32, #tpu.memory_space<vmem>>, vector<16xi32>,
        %add3A_165 = arith.addi %add3A_158, %get3A_164 : vector<16xi32>
        %mul3A_166 = arith.constant 16 : i32
        %mul3A_167 = arith.muli %while3A_141, %mul3A_166 : i32
        %add3A_168 = arith.constant 768 : i32
        %add3A_169 = arith.addi %add3A_168, %mul3A_167 : i32
        %get3A_170 = arith.index_cast %add3A_169 : i32 to index
        %get3A_171 = tpu.vector_load %arg6[%get3A_170] {strides = array<i32>} : memref<8192xi32, #tpu.memory_space<vmem>>, vector<16xi32>,
        %add3A_172 = arith.addi %add3A_165, %get3A_171 : vector<16xi32>
        %mul3A_173 = arith.constant 16 : i32
        %mul3A_174 = arith.muli %while3A_141, %mul3A_173 : i32
        %add3A_175 = arith.constant 1024 : i32
        %add3A_176 = arith.addi %add3A_175, %mul3A_174 : i32
        %get3A_177 = arith.index_cast %add3A_176 : i32 to index
        %get3A_178 = tpu.vector_load %arg6[%get3A_177] {strides = array<i32>} : memref<8192xi32, #tpu.memory_space<vmem>>, vector<16xi32>,
        %add3A_179 = arith.addi %add3A_172, %get3A_178 : vector<16xi32>
        %mul3A_180 = arith.constant 16 : i32
        %mul3A_181 = arith.muli %while3A_141, %mul3A_180 : i32
        %add3A_182 = arith.constant 1280 : i32
        %add3A_183 = arith.addi %add3A_182, %mul3A_181 : i32
        %get3A_184 = arith.index_cast %add3A_183 : i32 to index
        %get3A_185 = tpu.vector_load %arg6[%get3A_184] {strides = array<i32>} : memref<8192xi32, #tpu.memory_space<vmem>>, vector<16xi32>,
        %add3A_186 = arith.addi %add3A_179, %get3A_185 : vector<16xi32>
        %mul3A_187 = arith.constant 16 : i32
        %mul3A_188 = arith.muli %while3A_141, %mul3A_187 : i32
        %add3A_189 = arith.constant 1536 : i32
        %add3A_190 = arith.addi %add3A_189, %mul3A_188 : i32
        %get3A_191 = arith.index_cast %add3A_190 : i32 to index
        %get3A_192 = tpu.vector_load %arg6[%get3A_191] {strides = array<i32>} : memref<8192xi32, #tpu.memory_space<vmem>>, vector<16xi32>,
        %add3A_193 = arith.addi %add3A_186, %get3A_192 : vector<16xi32>
        %mul3A_194 = arith.constant 16 : i32
        %mul3A_195 = arith.muli %while3A_141, %mul3A_194 : i32
        %add3A_196 = arith.constant 1792 : i32
        %add3A_197 = arith.addi %add3A_196, %mul3A_195 : i32
        %get3A_198 = arith.index_cast %add3A_197 : i32 to index
        %get3A_199 = tpu.vector_load %arg6[%get3A_198] {strides = array<i32>} : memref<8192xi32, #tpu.memory_space<vmem>>, vector<16xi32>,
        %add3A_200 = arith.addi %add3A_193, %get3A_199 : vector<16xi32>
        %mul3A_201 = arith.constant 16 : i32
        %mul3A_202 = arith.muli %while3A_141, %mul3A_201 : i32
        %add3A_203 = arith.constant 2048 : i32
        %add3A_204 = arith.addi %add3A_203, %mul3A_202 : i32
        %get3A_205 = arith.index_cast %add3A_204 : i32 to index
        %get3A_206 = tpu.vector_load %arg6[%get3A_205] {strides = array<i32>} : memref<8192xi32, #tpu.memory_space<vmem>>, vector<16xi32>,
        %add3A_207 = arith.addi %add3A_200, %get3A_206 : vector<16xi32>
        %mul3A_208 = arith.constant 16 : i32
        %mul3A_209 = arith.muli %while3A_141, %mul3A_208 : i32
        %add3A_210 = arith.constant 2304 : i32
        %add3A_211 = arith.addi %add3A_210, %mul3A_209 : i32
        %get3A_212 = arith.index_cast %add3A_211 : i32 to index
        %get3A_213 = tpu.vector_load %arg6[%get3A_212] {strides = array<i32>} : memref<8192xi32, #tpu.memory_space<vmem>>, vector<16xi32>,
        %add3A_214 = arith.addi %add3A_207, %get3A_213 : vector<16xi32>
        %mul3A_215 = arith.constant 16 : i32
        %mul3A_216 = arith.muli %while3A_141, %mul3A_215 : i32
        %add3A_217 = arith.constant 2560 : i32
        %add3A_218 = arith.addi %add3A_217, %mul3A_216 : i32
        %get3A_219 = arith.index_cast %add3A_218 : i32 to index
        %get3A_220 = tpu.vector_load %arg6[%get3A_219] {strides = array<i32>} : memref<8192xi32, #tpu.memory_space<vmem>>, vector<16xi32>,
        %add3A_221 = arith.addi %add3A_214, %get3A_220 : vector<16xi32>
        %mul3A_222 = arith.constant 16 : i32
        %mul3A_223 = arith.muli %while3A_141, %mul3A_222 : i32
        %add3A_224 = arith.constant 2816 : i32
        %add3A_225 = arith.addi %add3A_224, %mul3A_223 : i32
        %get3A_226 = arith.index_cast %add3A_225 : i32 to index
        %get3A_227 = tpu.vector_load %arg6[%get3A_226] {strides = array<i32>} : memref<8192xi32, #tpu.memory_space<vmem>>, vector<16xi32>,
        %add3A_228 = arith.addi %add3A_221, %get3A_227 : vector<16xi32>
        %mul3A_229 = arith.constant 16 : i32
        %mul3A_230 = arith.muli %while3A_141, %mul3A_229 : i32
        %add3A_231 = arith.constant 3072 : i32
        %add3A_232 = arith.addi %add3A_231, %mul3A_230 : i32
        %get3A_233 = arith.index_cast %add3A_232 : i32 to index
        %get3A_234 = tpu.vector_load %arg6[%get3A_233] {strides = array<i32>} : memref<8192xi32, #tpu.memory_space<vmem>>, vector<16xi32>,
        %add3A_235 = arith.addi %add3A_228, %get3A_234 : vector<16xi32>
        %mul3A_236 = arith.constant 16 : i32
        %mul3A_237 = arith.muli %while3A_141, %mul3A_236 : i32
        %add3A_238 = arith.constant 3328 : i32
        %add3A_239 = arith.addi %add3A_238, %mul3A_237 : i32
        %get3A_240 = arith.index_cast %add3A_239 : i32 to index
        %get3A_241 = tpu.vector_load %arg6[%get3A_240] {strides = array<i32>} : memref<8192xi32, #tpu.memory_space<vmem>>, vector<16xi32>,
        %add3A_242 = arith.addi %add3A_235, %get3A_241 : vector<16xi32>
        %mul3A_243 = arith.constant 16 : i32
        %mul3A_244 = arith.muli %while3A_141, %mul3A_243 : i32
        %add3A_245 = arith.constant 3584 : i32
        %add3A_246 = arith.addi %add3A_245, %mul3A_244 : i32
        %get3A_247 = arith.index_cast %add3A_246 : i32 to index
        %get3A_248 = tpu.vector_load %arg6[%get3A_247] {strides = array<i32>} : memref<8192xi32, #tpu.memory_space<vmem>>, vector<16xi32>,
        %add3A_249 = arith.addi %add3A_242, %get3A_248 : vector<16xi32>
        %mul3A_250 = arith.constant 16 : i32
        %mul3A_251 = arith.muli %while3A_141, %mul3A_250 : i32
        %add3A_252 = arith.constant 3840 : i32
        %add3A_253 = arith.addi %add3A_252, %mul3A_251 : i32
        %get3A_254 = arith.index_cast %add3A_253 : i32 to index
        %get3A_255 = tpu.vector_load %arg6[%get3A_254] {strides = array<i32>} : memref<8192xi32, #tpu.memory_space<vmem>>, vector<16xi32>,
        %add3A_256 = arith.addi %add3A_249, %get3A_255 : vector<16xi32>
        %reduce_sum3A = arith.constant true
        %reduce_sum3A_257 = vector.broadcast %reduce_sum3A : i1 to vector<16xi1>
        %reduce_sum3A_258 = tpu.scan <sum>, %add3A_256 masked %reduce_sum3A_257 : vector<16xi32>, vector<16xi1> -> vector<16xi32>
        %reduce_sum3A_259 = vector.extract %reduce_sum3A_258[15] : i32 from vector<16xi32>
        %cumsum3A = arith.constant true
        %cumsum3A_260 = vector.broadcast %cumsum3A : i1 to vector<16xi1>
        %cumsum3A_261 = tpu.scan <sum>, %add3A_256 masked %cumsum3A_260 : vector<16xi32>, vector<16xi1> -> vector<16xi32>
        %sub3A = vector.broadcast %reduce_sum3A_259 : i32 to vector<16xi32>
        %sub3A_262 = arith.subi %sub3A, %cumsum3A_261 : vector<16xi32>
        %add3A_263 = arith.addi %sub3A_262, %add3A_256 : vector<16xi32>
        %add3A_264 = vector.broadcast %while3A_142 : i32 to vector<16xi32>
        %add3A_265 = arith.addi %add3A_264, %add3A_263 : vector<16xi32>
        %add3A_266 = arith.addi %while3A_142, %reduce_sum3A_259 : i32
        %ge3A_267 = arith.cmpi sge, %add3A_266, %while3A_145 : i32
        %ge3A_268 = vector.broadcast %while3A_145 : i32 to vector<16xi32>
        %ge3A_269 = arith.cmpi sge, %add3A_265, %ge3A_268 : vector<16xi32>
        %convert_element_type3A = arith.extui %ge3A_269 : vector<16xi1> to vector<16xi32>
        %reduce_sum3A_270 = arith.constant true
        %reduce_sum3A_271 = vector.broadcast %reduce_sum3A_270 : i1 to vector<16xi1>
        %reduce_sum3A_272 = tpu.scan <sum>, %convert_element_type3A masked %reduce_sum3A_271 : vector<16xi32>, vector<16xi1> -> vector<16xi32>
        %reduce_sum3A_273 = vector.extract %reduce_sum3A_272[15] : i32 from vector<16xi32>
        %mul3A_274 = arith.constant 16 : i32
        %mul3A_275 = arith.muli %while3A_141, %mul3A_274 : i32
        %add3A_276 = arith.addi %mul3A_275, %reduce_sum3A_273 : i32
        %sub3A_277 = arith.constant 1 : i32
        %sub3A_278 = arith.subi %add3A_276, %sub3A_277 : i32
        %jit3A_279 = arith.constant 0 : i32
        %broadcast_in_dim3A_280 = vector.broadcast %jit3A_279 : i32 to vector<16xi32>
        %select_n3A_281 = arith.select %ge3A_269, %broadcast_in_dim3A_280, %add3A_265 : vector<16xi1>, vector<16xi32>
        %reduce_max3A_282 = arith.constant true
        %reduce_max3A_283 = vector.broadcast %reduce_max3A_282 : i1 to vector<16xi1>
        %reduce_max3A_284 = arith.constant -2147483648 : i32
        %reduce_max3A_285 = vector.broadcast %reduce_max3A_284 : i32 to vector<16xi32>
        %reduce_max3A_286 = arith.xori %select_n3A_281, %reduce_max3A_285 : vector<16xi32>
        %reduce_max3A_287 = tpu.scan <max>, %reduce_max3A_286 masked %reduce_max3A_283 : vector<16xi32>, vector<16xi1> -> vector<16xi32>
        %reduce_max3A_288 = arith.xori %reduce_max3A_287, %reduce_max3A_285 : vector<16xi32>
        %reduce_max3A_289 = vector.extract %reduce_max3A_288[15] : i32 from vector<16xi32>
        %max3A_290 = arith.maxsi %reduce_max3A_289, %while3A_142 : i32
        %shift_left3A = arith.constant 8 : i32
        %shift_left3A_291 = arith.shli %sub3A_278, %shift_left3A : i32
        %or3A = arith.ori %while3A_144, %shift_left3A_291 : i32
        %select_n3A_292 = arith.select %ge3A_267, %or3A, %while3A_144 : i32
        %sub3A_293 = arith.subi %while3A_145, %max3A_290 : i32
        %select_n3A_294 = arith.select %ge3A_267, %sub3A_293, %while3A_145 : i32
        %add3A_295 = arith.addi %while3A_142, %reduce_sum3A_259 : i32
        %select_n3A_296 = arith.select %ge3A_267, %while3A_142, %add3A_295 : i32
        %sub3A_297 = arith.constant 1 : i32
        %sub3A_298 = arith.subi %while3A_141, %sub3A_297 : i32
        %or3A_299 = arith.ori %while3A_143, %ge3A_267 : i1
        scf.yield %sub3A_298, %select_n3A_296, %or3A_299, %select_n3A_292, %select_n3A_294 : i32, i32, i1, i32, i32
      }
      %max3A_100 = arith.constant 1 : i32
      %max3A_101 = arith.maxsi %while3A_99#3, %max3A_100 : i32
      %select_n3A_102 = arith.select %while3A_99#2, %max3A_101, %select_n3A_79 : i32
      %add3A_103 = arith.constant 256 : i32
      %add3A_104 = arith.addi %while3A_99#3, %add3A_103 : i32
      %select_n3A_105 = arith.select %while3A_99#2, %add3A_104, %select_n3A_82 : i32
      %parallel_loop3A_106 = arith.constant 0 : i32
      %parallel_loop3A_107 = arith.constant 256 : i32
      %parallel_loop3A_108 = arith.constant 1 : i32
      scf.for %parallel_loop3A_141 = %parallel_loop3A_106 to %parallel_loop3A_107 step %parallel_loop3A_108  : i32 {
        %parallel_loop3A_142 = arith.constant 16 : i32
        %parallel_loop3A_143 = arith.muli %parallel_loop3A_141, %parallel_loop3A_142 : i32
        %parallel_loop3A_144 = arith.index_cast %parallel_loop3A_143 : i32 to index
        %parallel_loop3A_145 = tpu.vector_load %arg6[%parallel_loop3A_144] {strides = array<i32>} : memref<8192xi32, #tpu.memory_space<vmem>>, vector<16xi32>,
        tpu.vector_store %arg6[%parallel_loop3A_144], %broadcast_in_dim3A_9 {strides = array<i32>} : memref<8192xi32, #tpu.memory_space<vmem>>, vector<16xi32>,
      } {sc.loop_unroll_factor = 8 : i64, sc.parallel_access}
      %while3A_109 = arith.constant 0 : i32
      %while3A_110 = arith.constant 0 : i32
      %while3A_111 = arith.subi %reduce_max3A_59, %while3A_110 : i32
      %while3A_112 = arith.addi %while3A_110, %while3A_111 : i32
      %while3A_113 = arith.constant 1 : i32
      %while3A_114 = arith.divsi %while3A_111, %while3A_113 : i32
      %while3A_115 = arith.muli %while3A_114, %while3A_113 : i32
      %while3A_116 = arith.addi %while3A_110, %while3A_115 : i32
      %while3A_117 = arith.constant 1 : i32
      scf.for %while3A_141 = %while3A_110 to %while3A_116 step %while3A_117  : i32 {
        %gt3A = vector.broadcast %while3A_141 : i32 to vector<16xi32>
        %gt3A_142 = arith.cmpi sgt, %parallel_loop3A_51, %gt3A : vector<16xi32>
        %mul3A_143 = arith.constant 16 : i32
        %mul3A_144 = arith.muli %while3A_141, %mul3A_143 : i32
        %get3A = arith.index_cast %mul3A_144 : i32 to index
        %get3A_145 = tpu.vector_load %arg7[%get3A] {strides = array<i32>} : memref<8192xi32, #tpu.memory_space<vmem>>, vector<16xi32>,
        %gather3A = tpu.vector_load_idx %arg4[%get3A_145] masked %gt3A_142 : memref<24576xf32, #tpu.memory_space<vmem>>[vector<16xi32>], vector<16xf32>, vector<16xi1>
        %bitcast_convert_type3A = tpu.bitcast %gather3A : vector<16xf32> -> vector<16xi32>
        %shift_right_arithmetic3A_146 = arith.constant 31 : i32
        %shift_right_arithmetic3A_147 = vector.broadcast %shift_right_arithmetic3A_146 : i32 to vector<16xi32>
        %shift_right_arithmetic3A_148 = arith.shrsi %bitcast_convert_type3A, %shift_right_arithmetic3A_147 : vector<16xi32>
        %and3A = arith.constant 2147483647 : i32
        %and3A_149 = vector.broadcast %and3A : i32 to vector<16xi32>
        %and3A_150 = arith.andi %shift_right_arithmetic3A_148, %and3A_149 : vector<16xi32>
        %xor3A = arith.xori %bitcast_convert_type3A, %and3A_150 : vector<16xi32>
        %ge3A_151 = vector.broadcast %select_n3A_102 : i32 to vector<16xi32>
        %ge3A_152 = arith.cmpi sge, %xor3A, %ge3A_151 : vector<16xi32>
        %and3A_153 = arith.andi %gt3A_142, %ge3A_152 : vector<16xi1>
        %lt3A = vector.broadcast %select_n3A_105 : i32 to vector<16xi32>
        %lt3A_154 = arith.cmpi slt, %xor3A, %lt3A : vector<16xi32>
        %and3A_155 = arith.andi %and3A_153, %lt3A_154 : vector<16xi1>
        %shift_right_arithmetic3A_156 = arith.constant 0 : i32
        %shift_right_arithmetic3A_157 = vector.broadcast %shift_right_arithmetic3A_156 : i32 to vector<16xi32>
        %shift_right_arithmetic3A_158 = arith.shrsi %xor3A, %shift_right_arithmetic3A_157 : vector<16xi32>
        %and3A_159 = arith.constant 255 : i32
        %and3A_160 = vector.broadcast %and3A_159 : i32 to vector<16xi32>
        %and3A_161 = arith.andi %shift_right_arithmetic3A_158, %and3A_160 : vector<16xi32>
        %add3A_162 = arith.addi %mul3A_6, %and3A_161 : vector<16xi32>
        tpu.vector_store_idx %arg6[%add3A_162], %broadcast_in_dim3A_7 masked %and3A_155 {add = true} : memref<8192xi32, #tpu.memory_space<vmem>>[vector<16xi32>], vector<16xi32>, vector<16xi1>
      }
      %while3A_118 = arith.constant 1 : i32
      scf.for %while3A_141 = %while3A_116 to %while3A_112 step %while3A_118  : i32 {
        %gt3A = vector.broadcast %while3A_141 : i32 to vector<16xi32>
        %gt3A_142 = arith.cmpi sgt, %parallel_loop3A_51, %gt3A : vector<16xi32>
        %mul3A_143 = arith.constant 16 : i32
        %mul3A_144 = arith.muli %while3A_141, %mul3A_143 : i32
        %get3A = arith.index_cast %mul3A_144 : i32 to index
        %get3A_145 = tpu.vector_load %arg7[%get3A] {strides = array<i32>} : memref<8192xi32, #tpu.memory_space<vmem>>, vector<16xi32>,
        %gather3A = tpu.vector_load_idx %arg4[%get3A_145] masked %gt3A_142 : memref<24576xf32, #tpu.memory_space<vmem>>[vector<16xi32>], vector<16xf32>, vector<16xi1>
        %bitcast_convert_type3A = tpu.bitcast %gather3A : vector<16xf32> -> vector<16xi32>
        %shift_right_arithmetic3A_146 = arith.constant 31 : i32
        %shift_right_arithmetic3A_147 = vector.broadcast %shift_right_arithmetic3A_146 : i32 to vector<16xi32>
        %shift_right_arithmetic3A_148 = arith.shrsi %bitcast_convert_type3A, %shift_right_arithmetic3A_147 : vector<16xi32>
        %and3A = arith.constant 2147483647 : i32
        %and3A_149 = vector.broadcast %and3A : i32 to vector<16xi32>
        %and3A_150 = arith.andi %shift_right_arithmetic3A_148, %and3A_149 : vector<16xi32>
        %xor3A = arith.xori %bitcast_convert_type3A, %and3A_150 : vector<16xi32>
        %ge3A_151 = vector.broadcast %select_n3A_102 : i32 to vector<16xi32>
        %ge3A_152 = arith.cmpi sge, %xor3A, %ge3A_151 : vector<16xi32>
        %and3A_153 = arith.andi %gt3A_142, %ge3A_152 : vector<16xi1>
        %lt3A = vector.broadcast %select_n3A_105 : i32 to vector<16xi32>
        %lt3A_154 = arith.cmpi slt, %xor3A, %lt3A : vector<16xi32>
        %and3A_155 = arith.andi %and3A_153, %lt3A_154 : vector<16xi1>
        %shift_right_arithmetic3A_156 = arith.constant 0 : i32
        %shift_right_arithmetic3A_157 = vector.broadcast %shift_right_arithmetic3A_156 : i32 to vector<16xi32>
        %shift_right_arithmetic3A_158 = arith.shrsi %xor3A, %shift_right_arithmetic3A_157 : vector<16xi32>
        %and3A_159 = arith.constant 255 : i32
        %and3A_160 = vector.broadcast %and3A_159 : i32 to vector<16xi32>
        %and3A_161 = arith.andi %shift_right_arithmetic3A_158, %and3A_160 : vector<16xi32>
        %add3A_162 = arith.addi %mul3A_6, %and3A_161 : vector<16xi32>
        tpu.vector_store_idx %arg6[%add3A_162], %broadcast_in_dim3A_7 masked %and3A_155 {add = true} : memref<8192xi32, #tpu.memory_space<vmem>>[vector<16xi32>], vector<16xi32>, vector<16xi1>
      }
      %while3A_119 = arith.constant 15 : i32
      %while3A_120 = arith.constant 0 : i32
      %while3A_121 = arith.constant false
      %while3A_122:5 = scf.while (%while3A_141 = %while3A_119, %while3A_142 = %while3A_120, %while3A_143 = %while3A_121, %while3A_144 = %while3A_99#3, %while3A_145 = %while3A_99#4) : (i32, i32, i1, i32, i32) -> (i32, i32, i1, i32, i32) {
        %not3A = arith.constant true
        %not3A_146 = arith.xori %while3A_143, %not3A : i1
        %ge3A_147 = arith.constant 0 : i32
        %ge3A_148 = arith.cmpi sge, %while3A_141, %ge3A_147 : i32
        %and3A = arith.andi %not3A_146, %ge3A_148 : i1
        scf.condition(%and3A) %while3A_141, %while3A_142, %while3A_143, %while3A_144, %while3A_145 : i32, i32, i1, i32, i32
      } do {
      ^bb0(%while3A_141: i32, %while3A_142: i32, %while3A_143: i1, %while3A_144: i32, %while3A_145: i32):
        %mul3A_146 = arith.constant 16 : i32
        %mul3A_147 = arith.muli %while3A_141, %mul3A_146 : i32
        %add3A_148 = arith.constant 0 : i32
        %add3A_149 = arith.addi %add3A_148, %mul3A_147 : i32
        %get3A = arith.index_cast %add3A_149 : i32 to index
        %get3A_150 = tpu.vector_load %arg6[%get3A] {strides = array<i32>} : memref<8192xi32, #tpu.memory_space<vmem>>, vector<16xi32>,
        %add3A_151 = arith.addi %broadcast_in_dim3A_9, %get3A_150 : vector<16xi32>
        %mul3A_152 = arith.constant 16 : i32
        %mul3A_153 = arith.muli %while3A_141, %mul3A_152 : i32
        %add3A_154 = arith.constant 256 : i32
        %add3A_155 = arith.addi %add3A_154, %mul3A_153 : i32
        %get3A_156 = arith.index_cast %add3A_155 : i32 to index
        %get3A_157 = tpu.vector_load %arg6[%get3A_156] {strides = array<i32>} : memref<8192xi32, #tpu.memory_space<vmem>>, vector<16xi32>,
        %add3A_158 = arith.addi %add3A_151, %get3A_157 : vector<16xi32>
        %mul3A_159 = arith.constant 16 : i32
        %mul3A_160 = arith.muli %while3A_141, %mul3A_159 : i32
        %add3A_161 = arith.constant 512 : i32
        %add3A_162 = arith.addi %add3A_161, %mul3A_160 : i32
        %get3A_163 = arith.index_cast %add3A_162 : i32 to index
        %get3A_164 = tpu.vector_load %arg6[%get3A_163] {strides = array<i32>} : memref<8192xi32, #tpu.memory_space<vmem>>, vector<16xi32>,
        %add3A_165 = arith.addi %add3A_158, %get3A_164 : vector<16xi32>
        %mul3A_166 = arith.constant 16 : i32
        %mul3A_167 = arith.muli %while3A_141, %mul3A_166 : i32
        %add3A_168 = arith.constant 768 : i32
        %add3A_169 = arith.addi %add3A_168, %mul3A_167 : i32
        %get3A_170 = arith.index_cast %add3A_169 : i32 to index
        %get3A_171 = tpu.vector_load %arg6[%get3A_170] {strides = array<i32>} : memref<8192xi32, #tpu.memory_space<vmem>>, vector<16xi32>,
        %add3A_172 = arith.addi %add3A_165, %get3A_171 : vector<16xi32>
        %mul3A_173 = arith.constant 16 : i32
        %mul3A_174 = arith.muli %while3A_141, %mul3A_173 : i32
        %add3A_175 = arith.constant 1024 : i32
        %add3A_176 = arith.addi %add3A_175, %mul3A_174 : i32
        %get3A_177 = arith.index_cast %add3A_176 : i32 to index
        %get3A_178 = tpu.vector_load %arg6[%get3A_177] {strides = array<i32>} : memref<8192xi32, #tpu.memory_space<vmem>>, vector<16xi32>,
        %add3A_179 = arith.addi %add3A_172, %get3A_178 : vector<16xi32>
        %mul3A_180 = arith.constant 16 : i32
        %mul3A_181 = arith.muli %while3A_141, %mul3A_180 : i32
        %add3A_182 = arith.constant 1280 : i32
        %add3A_183 = arith.addi %add3A_182, %mul3A_181 : i32
        %get3A_184 = arith.index_cast %add3A_183 : i32 to index
        %get3A_185 = tpu.vector_load %arg6[%get3A_184] {strides = array<i32>} : memref<8192xi32, #tpu.memory_space<vmem>>, vector<16xi32>,
        %add3A_186 = arith.addi %add3A_179, %get3A_185 : vector<16xi32>
        %mul3A_187 = arith.constant 16 : i32
        %mul3A_188 = arith.muli %while3A_141, %mul3A_187 : i32
        %add3A_189 = arith.constant 1536 : i32
        %add3A_190 = arith.addi %add3A_189, %mul3A_188 : i32
        %get3A_191 = arith.index_cast %add3A_190 : i32 to index
        %get3A_192 = tpu.vector_load %arg6[%get3A_191] {strides = array<i32>} : memref<8192xi32, #tpu.memory_space<vmem>>, vector<16xi32>,
        %add3A_193 = arith.addi %add3A_186, %get3A_192 : vector<16xi32>
        %mul3A_194 = arith.constant 16 : i32
        %mul3A_195 = arith.muli %while3A_141, %mul3A_194 : i32
        %add3A_196 = arith.constant 1792 : i32
        %add3A_197 = arith.addi %add3A_196, %mul3A_195 : i32
        %get3A_198 = arith.index_cast %add3A_197 : i32 to index
        %get3A_199 = tpu.vector_load %arg6[%get3A_198] {strides = array<i32>} : memref<8192xi32, #tpu.memory_space<vmem>>, vector<16xi32>,
        %add3A_200 = arith.addi %add3A_193, %get3A_199 : vector<16xi32>
        %mul3A_201 = arith.constant 16 : i32
        %mul3A_202 = arith.muli %while3A_141, %mul3A_201 : i32
        %add3A_203 = arith.constant 2048 : i32
        %add3A_204 = arith.addi %add3A_203, %mul3A_202 : i32
        %get3A_205 = arith.index_cast %add3A_204 : i32 to index
        %get3A_206 = tpu.vector_load %arg6[%get3A_205] {strides = array<i32>} : memref<8192xi32, #tpu.memory_space<vmem>>, vector<16xi32>,
        %add3A_207 = arith.addi %add3A_200, %get3A_206 : vector<16xi32>
        %mul3A_208 = arith.constant 16 : i32
        %mul3A_209 = arith.muli %while3A_141, %mul3A_208 : i32
        %add3A_210 = arith.constant 2304 : i32
        %add3A_211 = arith.addi %add3A_210, %mul3A_209 : i32
        %get3A_212 = arith.index_cast %add3A_211 : i32 to index
        %get3A_213 = tpu.vector_load %arg6[%get3A_212] {strides = array<i32>} : memref<8192xi32, #tpu.memory_space<vmem>>, vector<16xi32>,
        %add3A_214 = arith.addi %add3A_207, %get3A_213 : vector<16xi32>
        %mul3A_215 = arith.constant 16 : i32
        %mul3A_216 = arith.muli %while3A_141, %mul3A_215 : i32
        %add3A_217 = arith.constant 2560 : i32
        %add3A_218 = arith.addi %add3A_217, %mul3A_216 : i32
        %get3A_219 = arith.index_cast %add3A_218 : i32 to index
        %get3A_220 = tpu.vector_load %arg6[%get3A_219] {strides = array<i32>} : memref<8192xi32, #tpu.memory_space<vmem>>, vector<16xi32>,
        %add3A_221 = arith.addi %add3A_214, %get3A_220 : vector<16xi32>
        %mul3A_222 = arith.constant 16 : i32
        %mul3A_223 = arith.muli %while3A_141, %mul3A_222 : i32
        %add3A_224 = arith.constant 2816 : i32
        %add3A_225 = arith.addi %add3A_224, %mul3A_223 : i32
        %get3A_226 = arith.index_cast %add3A_225 : i32 to index
        %get3A_227 = tpu.vector_load %arg6[%get3A_226] {strides = array<i32>} : memref<8192xi32, #tpu.memory_space<vmem>>, vector<16xi32>,
        %add3A_228 = arith.addi %add3A_221, %get3A_227 : vector<16xi32>
        %mul3A_229 = arith.constant 16 : i32
        %mul3A_230 = arith.muli %while3A_141, %mul3A_229 : i32
        %add3A_231 = arith.constant 3072 : i32
        %add3A_232 = arith.addi %add3A_231, %mul3A_230 : i32
        %get3A_233 = arith.index_cast %add3A_232 : i32 to index
        %get3A_234 = tpu.vector_load %arg6[%get3A_233] {strides = array<i32>} : memref<8192xi32, #tpu.memory_space<vmem>>, vector<16xi32>,
        %add3A_235 = arith.addi %add3A_228, %get3A_234 : vector<16xi32>
        %mul3A_236 = arith.constant 16 : i32
        %mul3A_237 = arith.muli %while3A_141, %mul3A_236 : i32
        %add3A_238 = arith.constant 3328 : i32
        %add3A_239 = arith.addi %add3A_238, %mul3A_237 : i32
        %get3A_240 = arith.index_cast %add3A_239 : i32 to index
        %get3A_241 = tpu.vector_load %arg6[%get3A_240] {strides = array<i32>} : memref<8192xi32, #tpu.memory_space<vmem>>, vector<16xi32>,
        %add3A_242 = arith.addi %add3A_235, %get3A_241 : vector<16xi32>
        %mul3A_243 = arith.constant 16 : i32
        %mul3A_244 = arith.muli %while3A_141, %mul3A_243 : i32
        %add3A_245 = arith.constant 3584 : i32
        %add3A_246 = arith.addi %add3A_245, %mul3A_244 : i32
        %get3A_247 = arith.index_cast %add3A_246 : i32 to index
        %get3A_248 = tpu.vector_load %arg6[%get3A_247] {strides = array<i32>} : memref<8192xi32, #tpu.memory_space<vmem>>, vector<16xi32>,
        %add3A_249 = arith.addi %add3A_242, %get3A_248 : vector<16xi32>
        %mul3A_250 = arith.constant 16 : i32
        %mul3A_251 = arith.muli %while3A_141, %mul3A_250 : i32
        %add3A_252 = arith.constant 3840 : i32
        %add3A_253 = arith.addi %add3A_252, %mul3A_251 : i32
        %get3A_254 = arith.index_cast %add3A_253 : i32 to index
        %get3A_255 = tpu.vector_load %arg6[%get3A_254] {strides = array<i32>} : memref<8192xi32, #tpu.memory_space<vmem>>, vector<16xi32>,
        %add3A_256 = arith.addi %add3A_249, %get3A_255 : vector<16xi32>
        %reduce_sum3A = arith.constant true
        %reduce_sum3A_257 = vector.broadcast %reduce_sum3A : i1 to vector<16xi1>
        %reduce_sum3A_258 = tpu.scan <sum>, %add3A_256 masked %reduce_sum3A_257 : vector<16xi32>, vector<16xi1> -> vector<16xi32>
        %reduce_sum3A_259 = vector.extract %reduce_sum3A_258[15] : i32 from vector<16xi32>
        %cumsum3A = arith.constant true
        %cumsum3A_260 = vector.broadcast %cumsum3A : i1 to vector<16xi1>
        %cumsum3A_261 = tpu.scan <sum>, %add3A_256 masked %cumsum3A_260 : vector<16xi32>, vector<16xi1> -> vector<16xi32>
        %sub3A = vector.broadcast %reduce_sum3A_259 : i32 to vector<16xi32>
        %sub3A_262 = arith.subi %sub3A, %cumsum3A_261 : vector<16xi32>
        %add3A_263 = arith.addi %sub3A_262, %add3A_256 : vector<16xi32>
        %add3A_264 = vector.broadcast %while3A_142 : i32 to vector<16xi32>
        %add3A_265 = arith.addi %add3A_264, %add3A_263 : vector<16xi32>
        %add3A_266 = arith.addi %while3A_142, %reduce_sum3A_259 : i32
        %ge3A_267 = arith.cmpi sge, %add3A_266, %while3A_145 : i32
        %ge3A_268 = vector.broadcast %while3A_145 : i32 to vector<16xi32>
        %ge3A_269 = arith.cmpi sge, %add3A_265, %ge3A_268 : vector<16xi32>
        %convert_element_type3A = arith.extui %ge3A_269 : vector<16xi1> to vector<16xi32>
        %reduce_sum3A_270 = arith.constant true
        %reduce_sum3A_271 = vector.broadcast %reduce_sum3A_270 : i1 to vector<16xi1>
        %reduce_sum3A_272 = tpu.scan <sum>, %convert_element_type3A masked %reduce_sum3A_271 : vector<16xi32>, vector<16xi1> -> vector<16xi32>
        %reduce_sum3A_273 = vector.extract %reduce_sum3A_272[15] : i32 from vector<16xi32>
        %mul3A_274 = arith.constant 16 : i32
        %mul3A_275 = arith.muli %while3A_141, %mul3A_274 : i32
        %add3A_276 = arith.addi %mul3A_275, %reduce_sum3A_273 : i32
        %sub3A_277 = arith.constant 1 : i32
        %sub3A_278 = arith.subi %add3A_276, %sub3A_277 : i32
        %jit3A_279 = arith.constant 0 : i32
        %broadcast_in_dim3A_280 = vector.broadcast %jit3A_279 : i32 to vector<16xi32>
        %select_n3A_281 = arith.select %ge3A_269, %broadcast_in_dim3A_280, %add3A_265 : vector<16xi1>, vector<16xi32>
        %reduce_max3A_282 = arith.constant true
        %reduce_max3A_283 = vector.broadcast %reduce_max3A_282 : i1 to vector<16xi1>
        %reduce_max3A_284 = arith.constant -2147483648 : i32
        %reduce_max3A_285 = vector.broadcast %reduce_max3A_284 : i32 to vector<16xi32>
        %reduce_max3A_286 = arith.xori %select_n3A_281, %reduce_max3A_285 : vector<16xi32>
        %reduce_max3A_287 = tpu.scan <max>, %reduce_max3A_286 masked %reduce_max3A_283 : vector<16xi32>, vector<16xi1> -> vector<16xi32>
        %reduce_max3A_288 = arith.xori %reduce_max3A_287, %reduce_max3A_285 : vector<16xi32>
        %reduce_max3A_289 = vector.extract %reduce_max3A_288[15] : i32 from vector<16xi32>
        %max3A_290 = arith.maxsi %reduce_max3A_289, %while3A_142 : i32
        %shift_left3A = arith.constant 0 : i32
        %shift_left3A_291 = arith.shli %sub3A_278, %shift_left3A : i32
        %or3A = arith.ori %while3A_144, %shift_left3A_291 : i32
        %select_n3A_292 = arith.select %ge3A_267, %or3A, %while3A_144 : i32
        %sub3A_293 = arith.subi %while3A_145, %max3A_290 : i32
        %select_n3A_294 = arith.select %ge3A_267, %sub3A_293, %while3A_145 : i32
        %add3A_295 = arith.addi %while3A_142, %reduce_sum3A_259 : i32
        %select_n3A_296 = arith.select %ge3A_267, %while3A_142, %add3A_295 : i32
        %sub3A_297 = arith.constant 1 : i32
        %sub3A_298 = arith.subi %while3A_141, %sub3A_297 : i32
        %or3A_299 = arith.ori %while3A_143, %ge3A_267 : i1
        scf.yield %sub3A_298, %select_n3A_296, %or3A_299, %select_n3A_292, %select_n3A_294 : i32, i32, i1, i32, i32
      }
      %max3A_123 = arith.constant 1 : i32
      %max3A_124 = arith.maxsi %while3A_122#3, %max3A_123 : i32
      %select_n3A_125 = arith.select %while3A_122#2, %max3A_124, %select_n3A_102 : i32
      %add3A_126 = arith.constant 1 : i32
      %add3A_127 = arith.addi %while3A_122#3, %add3A_126 : i32
      %select_n3A_128 = arith.select %while3A_122#2, %add3A_127, %select_n3A_105 : i32
      %max3A_129 = arith.constant 1 : i32
      %max3A_130 = arith.maxsi %while3A_122#3, %max3A_129 : i32
      %while3A_131 = arith.constant 0 : i32
      %while3A_132 = arith.constant 0 : i32
      %while3A_133 = arith.subi %reduce_max3A_59, %while3A_132 : i32
      %while3A_134 = arith.addi %while3A_132, %while3A_133 : i32
      %while3A_135 = arith.constant 1 : i32
      %while3A_136 = arith.divsi %while3A_133, %while3A_135 : i32
      %while3A_137 = arith.muli %while3A_136, %while3A_135 : i32
      %while3A_138 = arith.addi %while3A_132, %while3A_137 : i32
      %while3A_139 = arith.constant 1 : i32
      scf.for %while3A_141 = %while3A_132 to %while3A_138 step %while3A_139  : i32 {
        %gt3A = vector.broadcast %while3A_141 : i32 to vector<16xi32>
        %gt3A_142 = arith.cmpi sgt, %parallel_loop3A_51, %gt3A : vector<16xi32>
        %mul3A_143 = arith.constant 16 : i32
        %mul3A_144 = arith.muli %while3A_141, %mul3A_143 : i32
        %get3A = arith.index_cast %mul3A_144 : i32 to index
        %get3A_145 = tpu.vector_load %arg7[%get3A] {strides = array<i32>} : memref<8192xi32, #tpu.memory_space<vmem>>, vector<16xi32>,
        %gather3A = tpu.vector_load_idx %arg4[%get3A_145] masked %gt3A_142 : memref<24576xf32, #tpu.memory_space<vmem>>[vector<16xi32>], vector<16xf32>, vector<16xi1>
        %bitcast_convert_type3A = tpu.bitcast %gather3A : vector<16xf32> -> vector<16xi32>
        %shift_right_arithmetic3A_146 = arith.constant 31 : i32
        %shift_right_arithmetic3A_147 = vector.broadcast %shift_right_arithmetic3A_146 : i32 to vector<16xi32>
        %shift_right_arithmetic3A_148 = arith.shrsi %bitcast_convert_type3A, %shift_right_arithmetic3A_147 : vector<16xi32>
        %and3A = arith.constant 2147483647 : i32
        %and3A_149 = vector.broadcast %and3A : i32 to vector<16xi32>
        %and3A_150 = arith.andi %shift_right_arithmetic3A_148, %and3A_149 : vector<16xi32>
        %xor3A = arith.xori %bitcast_convert_type3A, %and3A_150 : vector<16xi32>
        %lt3A = vector.broadcast %max3A_130 : i32 to vector<16xi32>
        %lt3A_151 = arith.cmpi slt, %xor3A, %lt3A : vector<16xi32>
        %and3A_152 = arith.andi %gt3A_142, %lt3A_151 : vector<16xi1>
        tpu.vector_store_idx %arg5[%get3A_145], %broadcast_in_dim3A_11 masked %and3A_152 : memref<24576xf32, #tpu.memory_space<vmem>>[vector<16xi32>], vector<16xf32>, vector<16xi1>
      }
      %while3A_140 = arith.constant 1 : i32
      scf.for %while3A_141 = %while3A_138 to %while3A_134 step %while3A_140  : i32 {
        %gt3A = vector.broadcast %while3A_141 : i32 to vector<16xi32>
        %gt3A_142 = arith.cmpi sgt, %parallel_loop3A_51, %gt3A : vector<16xi32>
        %mul3A_143 = arith.constant 16 : i32
        %mul3A_144 = arith.muli %while3A_141, %mul3A_143 : i32
        %get3A = arith.index_cast %mul3A_144 : i32 to index
        %get3A_145 = tpu.vector_load %arg7[%get3A] {strides = array<i32>} : memref<8192xi32, #tpu.memory_space<vmem>>, vector<16xi32>,
        %gather3A = tpu.vector_load_idx %arg4[%get3A_145] masked %gt3A_142 : memref<24576xf32, #tpu.memory_space<vmem>>[vector<16xi32>], vector<16xf32>, vector<16xi1>
        %bitcast_convert_type3A = tpu.bitcast %gather3A : vector<16xf32> -> vector<16xi32>
        %shift_right_arithmetic3A_146 = arith.constant 31 : i32
        %shift_right_arithmetic3A_147 = vector.broadcast %shift_right_arithmetic3A_146 : i32 to vector<16xi32>
        %shift_right_arithmetic3A_148 = arith.shrsi %bitcast_convert_type3A, %shift_right_arithmetic3A_147 : vector<16xi32>
        %and3A = arith.constant 2147483647 : i32
        %and3A_149 = vector.broadcast %and3A : i32 to vector<16xi32>
        %and3A_150 = arith.andi %shift_right_arithmetic3A_148, %and3A_149 : vector<16xi32>
        %xor3A = arith.xori %bitcast_convert_type3A, %and3A_150 : vector<16xi32>
        %lt3A = vector.broadcast %max3A_130 : i32 to vector<16xi32>
        %lt3A_151 = arith.cmpi slt, %xor3A, %lt3A : vector<16xi32>
        %and3A_152 = arith.andi %gt3A_142, %lt3A_151 : vector<16xi1>
        tpu.vector_store_idx %arg5[%get3A_145], %broadcast_in_dim3A_11 masked %and3A_152 : memref<24576xf32, #tpu.memory_space<vmem>>[vector<16xi32>], vector<16xf32>, vector<16xi1>
      }
      "tpu.region"() ({
        %run_scoped3A = tpu.sem_alloc : memref<!tpu.dma_semaphore, #tpu.memory_space<semaphore_mem>>
        %dma_start3A = arith.constant 0 : i32
        %dma_start3A_141 = tpu.memref_slice %arg3[%add3A_20, %dma_start3A] : memref<4096x24576xf32, #tpu.memory_space<hbm>> -> memref<1x24576xf32, #tpu.memory_space<hbm>>
        %dma_start3A_142 = tpu.memref_squeeze %dma_start3A_141 : memref<1x24576xf32, #tpu.memory_space<hbm>> -> memref<24576xf32, #tpu.memory_space<hbm>>
        %dma_start3A_143 = arith.constant 0 : i32
        %dma_start3A_144 = tpu.memref_slice %arg3[%add3A_20, %dma_start3A_143] : memref<4096x24576xf32, #tpu.memory_space<hbm>> -> memref<1x24576xf32, #tpu.memory_space<hbm>>
        %dma_start3A_145 = tpu.memref_squeeze %dma_start3A_144 : memref<1x24576xf32, #tpu.memory_space<hbm>> -> memref<24576xf32, #tpu.memory_space<hbm>>
        tpu.enqueue_dma source(%arg5 : memref<24576xf32, #tpu.memory_space<vmem>>) target(%dma_start3A_145 : memref<24576xf32, #tpu.memory_space<hbm>>) target_semaphore(%run_scoped3A : memref<!tpu.dma_semaphore, #tpu.memory_space<semaphore_mem>>)
        %dma_wait3A = arith.constant 0 : i32
        %dma_wait3A_146 = tpu.memref_slice %arg3[%add3A_20, %dma_wait3A] : memref<4096x24576xf32, #tpu.memory_space<hbm>> -> memref<1x24576xf32, #tpu.memory_space<hbm>>
        %dma_wait3A_147 = tpu.memref_squeeze %dma_wait3A_146 : memref<1x24576xf32, #tpu.memory_space<hbm>> -> memref<24576xf32, #tpu.memory_space<hbm>>
        %dma_wait3A_148 = arith.constant 0 : i32
        %dma_wait3A_149 = tpu.memref_slice %arg3[%add3A_20, %dma_wait3A_148] : memref<4096x24576xf32, #tpu.memory_space<hbm>> -> memref<1x24576xf32, #tpu.memory_space<hbm>>
        %dma_wait3A_150 = tpu.memref_squeeze %dma_wait3A_149 : memref<1x24576xf32, #tpu.memory_space<hbm>> -> memref<24576xf32, #tpu.memory_space<hbm>>
        tpu.wait_dma2 semaphore(%run_scoped3A : memref<!tpu.dma_semaphore, #tpu.memory_space<semaphore_mem>>) src(%arg5 : memref<24576xf32, #tpu.memory_space<vmem>>) dst(%dma_wait3A_150 : memref<24576xf32, #tpu.memory_space<hbm>>)
        tpu.yield
      }) : () -> ()
    }
    %scan3A_16 = arith.constant 128 : i32
    return
  }
}

module attributes {stable_mosaic.version = 14 : i64} {
  func.func @_mm_body(%arg0: i32, %arg1: i32, %arg2: memref<1024x768xf32, #tpu.memory_space<vmem>>, %arg3: memref<1024x768xf32, #tpu.memory_space<vmem>>, %arg4: memref<1x1024xf32, #tpu.memory_space<vmem>>, %arg5: memref<1024x1024xf32, #tpu.memory_space<vmem>>) attributes {dimension_semantics = [#tpu.dimension_semantics<arbitrary>, #tpu.dimension_semantics<arbitrary>], iteration_bounds = array<i64: 4, 24>, scalar_prefetch = 0 : i64, scratch_operands = 0 : i64, tpu.core_type = #tpu.core_type<tc>, window_params = [{transform_indices = @transform_0, window_bounds = array<i64: 1024, 768>}, {transform_indices = @transform_1, window_bounds = array<i64: 1024, 768>}, {transform_indices = @transform_2, window_bounds = array<i64: 1, 1024>}, {transform_indices = @transform_3, window_bounds = array<i64: 1024, 1024>}]} {
    %get3A = arith.constant 0 : index
    %get3A_0 = arith.constant 0 : index
    %get3A_1 = vector.load %arg2[%get3A, %get3A_0] : memref<1024x768xf32, #tpu.memory_space<vmem>>, vector<1024x768xf32>
    %get3A_2 = arith.constant 0 : index
    %get3A_3 = arith.constant 0 : index
    %get3A_4 = vector.load %arg3[%get3A_2, %get3A_3] : memref<1024x768xf32, #tpu.memory_space<vmem>>, vector<1024x768xf32>
    %dot_general3A = arith.constant dense<0.000000e+00> : vector<1024x1024xf32>
    %dot_general3A_5 = tpu.matmul %get3A_1, %get3A_4, %dot_general3A {dimension_numbers = #tpu.dot_dimension_numbers<[1], [1], [0], [0], [0, 0, 1, 0], [], []>, transpose_lhs_hint = false} : vector<1024x768xf32>, vector<1024x768xf32>, vector<1024x1024xf32> -> vector<1024x1024xf32>
    %get3A_6 = arith.constant 0 : index
    %get3A_7 = arith.constant 0 : index
    %get3A_8 = vector.load %arg4[%get3A_6, %get3A_7] : memref<1x1024xf32, #tpu.memory_space<vmem>>, vector<1x1024xf32>
    %add3A = vector.broadcast %get3A_8 : vector<1x1024xf32> to vector<1024x1024xf32>
    %add3A_9 = arith.addf %dot_general3A_5, %add3A : vector<1024x1024xf32>
    %swap3A = arith.constant 0 : index
    %swap3A_10 = arith.constant 0 : index
    %swap3A_11 = vector.load %arg5[%swap3A, %swap3A_10] : memref<1024x1024xf32, #tpu.memory_space<vmem>>, vector<1024x1024xf32>
    tpu.vector_store %arg5[%swap3A, %swap3A_10], %add3A_9 {strides = array<i32>} : memref<1024x1024xf32, #tpu.memory_space<vmem>>, vector<1024x1024xf32>,
    return
  }
  func.func @transform_0(%arg0: i32, %arg1: i32) -> (i32, i32) {
    %c0_i32 = arith.constant 0 : i32
    %c0_i32_0 = arith.constant 0 : i32
    return %arg0, %c0_i32 : i32, i32
  }
  func.func @transform_1(%arg0: i32, %arg1: i32) -> (i32, i32) {
    %c0_i32 = arith.constant 0 : i32
    %c0_i32_0 = arith.constant 0 : i32
    return %arg1, %c0_i32 : i32, i32
  }
  func.func @transform_2(%arg0: i32, %arg1: i32) -> (i32, i32) {
    %c0_i32 = arith.constant 0 : i32
    %c0_i32_0 = arith.constant 0 : i32
    return %c0_i32, %arg1 : i32, i32
  }
  func.func @transform_3(%arg0: i32, %arg1: i32) -> (i32, i32) {
    %c0_i32 = arith.constant 0 : i32
    return %arg0, %arg1 : i32, i32
  }
}

</mosaic_0001>

<sc_bundles>
// kernel: kernel.4.cloned.1.call-start
scs
__scs_entry_jumppad:
0x0: {  	(pc) =	sbr.rel $0x88, $3  }
0x1: {  	(tag) =	ssettag $0x0;
	lr =	simm.s32 $0x1  }
0x2: {  	[smem:$0x3F9E] =	sst lr;
	_ =	strace $0xD0000000  }
0x3: {  	_ = 	snop  }
0x4: {  	_ = 	snop  }
0x5: {  	_ = 	snop  }
0x6: {  	_ = 	snop  }
0x7: {  	_ = 	snop  }
__scs_overlays_trampoline_lowered:
0x8: {  	[smem:$0x3FAD] =	sst s0  }
0x9: {  	[smem:$0x3FAE] =	sst s1  }
0xa: {  	[smem:$0x3FAF] =	sst s2  }
0xb: {  	[smem:$0x3FB0] =	sst s3  }
0xc: {  	[smem:$0x3FB1] =	sst s4  }
0xd: {  	[smem:$0x3FB2] =	sst s5  }
0xe: {  	[smem:$0x3FB3] =	sst s6  }
0xf: {  	[smem:$0x3FB4] =	sst s7  }
0x10: {  	[smem:$0x3FB5] =	sst s8  }
0x11: {  	[smem:$0x3FB6] =	sst s9;
	s0 =	simm.s32 @!p0 $0x0  }
0x12: {  	s1 =	sld [smem:$0x3F9C];
	s0 =	simm.s32 @p0 $0x1  }
0x13: {  	[smem:$0x3FB7] =	sst s0;
	s0 =	simm.s32 @!p1 $0x0  }
0x14: {  	s2 =	sld [smem:$0x3F9B];
	s0 =	simm.s32 @p1 $0x1  }
0x15: {  	[smem:$0x3FB8] =	sst s0;
	s0 =	simm.s32 @!p2 $0x0  }
0x16: {  	s3 =	sld [smem:$0x3FDB];
	s0 =	simm.s32 @p2 $0x1  }
0x17: {  	s4 =	simm.s32 $0x1BF5;
	[smem:$0x3FBA] =	sst s0  }
0x18: {  	s0 =	sld [smem:$0x3F9D];
	_ =	swait.ge [sflag:s4], $0x0  }
0x19: {  	s7 =	sld [smem:$0x3F9E]  }
0x1a: {  	s8 =	sadd.s32 $0xFFFFE003, lr  }
0x1b: {  	s9 =	sadd.s32 $0xFFFFFEF7, lr;
	s5 =	simm.s32 $0xFFFFFFFF;
	p2 =	slt.u32 s8, $0xFFFFF086  }
0x1c: {  	p1 =	slt.u32 s9, $0xF7A;
	s5 =	simm.s32 @!p2 $0x0  }
0x1d: {  	s5 =	simm.s32 @p1 $0x1;
	p0 =	seq.s32 s7, s2  }
0x1e: {  	s7 =	smul.u32 @!p0 $0xF7A, s2;
	p2 =	seq.s32 @!p0 s5, $0x0  }
0x1f: {  	s9 =	smul.u32 $0xF7A, s1;
	s8 =	simm.s32 @!p0 $0x1BF5;
	p2 =	por !p2, p0  }
0x20: {  	[sflag:s8] =	ssyncset.s32 @!p0 $0xFFFFF086;
	s6 =	sadd.s32 @!p0 s3, s7;
	s7 =	simm.s32 @!p0 $0x108  }
0x21: {  	s3 =	sadd.s32 s3, s9;
	s6 =	sadd.s32 @!p0 $0x88, s6;
	s7 =	simm.s32 @p2 $0x1082  }
0x22: {  	[simem:s7], [sflag:s8] =	dma.local @!p0 [hbm:s6], $0xF7A  }
0x23: {  	s9 =	sor.u32 $0xD0000000, s2;
	s6 =	simm.s32 $0x108;
	_ =	swait.ge @!p0 [sflag:s8], $0x0  }
0x24: {  	s3 =	sadd.s32 $0x88, s3;
	s6 =	simm.s32 @!p1 $0x1082;
	[sflag:s4] =	ssyncset.s32 $0xFFFFF086  }
0x25: {  	[simem:s6], [sflag:s4] =	dma.local [hbm:s3], $0xF7A  }
0x26: {  	[smem:$0x3F9E] =	sst s1;
	(tag) =	ssettag s2;
	_ =	strace s9  }
0x27: {  	s1 =	sld [smem:$0x3FAE]  }
0x28: {  	s2 =	sld [smem:$0x3FAF]  }
0x29: {  	s4 =	sld [smem:$0x3FB1]  }
0x2a: {  	p0 =	seq.s32 s5, $0x0;
	s5 =	sld [smem:$0x3FB2]  }
0x2b: {  	s6 =	sld [smem:$0x3FB3]  }
0x2c: {  	s7 =	sld [smem:$0x3FB4]  }
0x2d: {  	s3 =	simm.s32 $0x108;
	s8 =	sld [smem:$0x3FB5]  }
0x2e: {  	s3 =	simm.s32 @!p0 $0x1082;
	s9 =	sld [smem:$0x3FB6]  }
0x2f: {  	lr =	sadd.s32 s0, s3;
	s0 =	sld [smem:$0x3FAD]  }
0x30: {  	s3 =	sld [smem:$0x3FB0]  }
0x31: {  	[smem:$0x3FB9] =	sst s10  }
0x32: {  	s10 =	sld [smem:$0x3FB7];
	_ =	sdelay $0x3  }
0x33: {  	p0 =	seq.s32 s10, $0x1;
	s10 =	sld [smem:$0x3FB9];
	_ =	sdelay $0x3  }
0x34: {  	[smem:$0x3FB9] =	sst s10  }
0x35: {  	s10 =	sld [smem:$0x3FB8];
	_ =	sdelay $0x3  }
0x36: {  	p1 =	seq.s32 s10, $0x1;
	s10 =	sld [smem:$0x3FB9];
	_ =	sdelay $0x3  }
0x37: {  	[smem:$0x3FB9] =	sst s10  }
0x38: {  	s10 =	sld [smem:$0x3FBA]  }
0x39: {  	_ = 	snop;
	(pc) =	sbr.ind lr, $3  }
0x3a: {  	_ = 	snop  }
0x3b: {  	_ = 	snop  }
0x3c: {  	p2 =	seq.s32 s10, $0x1;
	s10 =	sld [smem:$0x3FB9]  }
0x3d: {  	_ =	shalt  }
0x3e: {  	_ =	shalt  }
0x3f: {  	_ =	shalt  }
0x40: {  	_ =	shalt  }
0x41: {  	_ =	shalt  }
0x42: {  	_ =	shalt  }
0x43: {  	_ =	shalt  }
0x44: {  	_ =	shalt  }
0x45: {  	_ =	shalt  }
0x46: {  	_ =	shalt  }
0x47: {  	_ =	shalt  }
0x48: {  	_ =	shalt  }
0x49: {  	_ =	shalt  }
0x4a: {  	_ =	shalt  }
0x4b: {  	_ =	shalt  }
0x4c: {  	_ =	shalt  }
0x4d: {  	_ =	shalt  }
0x4e: {  	_ =	shalt  }
0x4f: {  	_ =	shalt  }
0x50: {  	_ =	shalt  }
0x51: {  	_ =	shalt  }
0x52: {  	_ =	shalt  }
0x53: {  	_ =	shalt  }
0x54: {  	_ =	shalt  }
0x55: {  	_ =	shalt  }
0x56: {  	_ =	shalt  }
0x57: {  	_ =	shalt  }
0x58: {  	_ =	shalt  }
0x59: {  	_ =	shalt  }
0x5a: {  	_ =	shalt  }
0x5b: {  	_ =	shalt  }
0x5c: {  	_ =	shalt  }
0x5d: {  	_ =	shalt  }
0x5e: {  	_ =	shalt  }
0x5f: {  	_ =	shalt  }
0x60: {  	_ =	shalt  }
0x61: {  	_ =	shalt  }
0x62: {  	_ =	shalt  }
0x63: {  	_ =	shalt  }
0x64: {  	_ =	shalt  }
0x65: {  	_ =	shalt  }
0x66: {  	_ =	shalt  }
0x67: {  	_ =	shalt  }
0x68: {  	_ =	shalt  }
0x69: {  	_ =	shalt  }
0x6a: {  	_ =	shalt  }
0x6b: {  	_ =	shalt  }
0x6c: {  	_ =	shalt  }
0x6d: {  	_ =	shalt  }
0x6e: {  	_ =	shalt  }
0x6f: {  	_ =	shalt  }
0x70: {  	_ =	shalt  }
0x71: {  	_ =	shalt  }
0x72: {  	_ =	shalt  }
0x73: {  	_ =	shalt  }
0x74: {  	_ =	shalt  }
0x75: {  	_ =	shalt  }
0x76: {  	_ =	shalt  }
0x77: {  	_ =	shalt  }
0x78: {  	_ =	shalt  }
0x79: {  	_ =	shalt  }
0x7a: {  	_ =	shalt  }
0x7b: {  	_ =	shalt  }
0x7c: {  	_ =	shalt  }
0x7d: {  	_ =	shalt  }
0x7e: {  	_ =	shalt  }
0x7f: {  	_ =	shalt  }
0x80: {  	_ =	shalt  }
0x81: {  	_ =	shalt  }
0x82: {  	_ =	shalt  }
0x83: {  	_ =	shalt  }
0x84: {  	_ =	shalt  }
0x85: {  	_ =	shalt  }
0x86: {  	_ =	shalt  }
0x87: {  	_ =	shalt  }
.Lfunc_end0:
.L_simem_size_0:
called_computation_lowered:
.L_overlay_start_0:
0x88: {  	s2 =	sld [smem:$0x3FD9]  }
0x89: {  	s3 =	sld [smem:$0x3FFE];
	_ =	sdelay $0x1  }
0x8a: {  	s1 =	srdreg.scid  }
0x8b: {  	s0 =	sand.u32 $0x1, s1  }
0x8c: {  	s17 =	sshll.u32 s0, $0xA;
	s2 =	sadd.s32 s3, s2  }
0x8d: {  	s2 =	sadd.s32 s2, s17  }
0x8e: {  	[smem:$0x3FC5] =	sst s2  }
0x8f: {  	_ = 	snop  }
0x90: {  	s2 =	sld [smem:$0x3FD0];
	(tm) =	ssettm $0x1  }
0x91: {  	s18 =	sld [smem:$0x3FFB];
	_ =	sdelay $0x3  }
0x92: {  	_ =	strace s18  }
0x93: {  	s3 =	sld [smem:$0x3FFC];
	_ =	sdelay $0x3  }
0x94: {  	_ =	strace s3  }
0x95: {  	s3 =	sld [smem:$0x3FFD];
	_ =	sdelay $0x3  }
0x96: {  	_ =	strace s3  }
0x97: {  	_ =	strace $0x8FFFFFFF  }
0x98: {  	s19 =	sld [smem:$0x3FDB];
	_ =	sdelay $0x1  }
0x99: {  	s4 =	simm.s32 $_scs_section_size  }
0x9a: {  	s5 =	simm.s32 $_size__tile_overlayer_lowered;
	s6 =	simm.s32 $_tile_overlayer_lowered  }
0x9b: {  	s22 =	simm.s32 $0x1BFF;
	s21 =	sshll.u32 s6, $0x1;
	s3 =	sadd.s32 s4, s19  }
0x9c: {  	s7 =	simm.s32 $0x0;
	s20 =	sshll.u32 s5, $0x1;
	s5 =	sadd.s32 s21, s3  }
0x9d: {  	[timem:s7], [sflag:s22] =	dma.local [hbm:s5], s20  }
0x9e: {  	_ =	swait.ge [sflag:s22], s20  }
0x9f: {  	s4 =	ssub.s32 $0x0, s20;
	[sflag:s22] =	ssyncset.done $0x0  }
0xa0: {  	[sflag:s22] =	ssyncadd.s32 s4;
	_ =	sdelay $0x1  }
0xa1: {  	s23 =	simm.s32 $0x1B8B  }
0xa2: {  	_ =	swait.ge [sflag:s23], $0x1  }
0xa3: {  	[sflag:s23] =	ssyncset.done $0x0  }
0xa4: {  	s25 =	simm.s32 $0x1B8E;
	s24 =	sld [smem:$0x3FFE];
	[sflag:s23] =	ssyncadd.s32 $0xFFFFFFFF  }
0xa5: {  	s26 =	simm.s32 $execute0_lowered;
	[smem:$0x3FD2] =	sst s25  }
0xa6: {  	s5 =	sshll.u32 s26, $0x1;
	_ =	strace $0x80000046;
	[dreg:$0x1] =	wrdreg $0xFFFFFFFF  }
0xa7: {  	s28 =	simm.s32 $_size_execute0_lowered;
	s3 =	sadd.s32 s3, s5;
	[dreg:$0x0] =	wrdreg $0x0  }
0xa8: {  	s5 =	sshll.u32 s28, $0x1;
	[dreg:$0x2] =	wrdreg s3  }
0xa9: {  	[dreg:$0x3] =	wrdreg s5  }
0xaa: {  	[dreg:$0x4] =	wrdreg $0xC0  }
0xab: {  	_ =	task [dreg:s7], $0x5FFFF  }
0xac: {  	[dreg:$0x1] =	wrdreg $0xFFFFFFFF  }
0xad: {  	[dreg:$0x0] =	wrdreg $0x60  }
0xae: {  	[dreg:$0x2] =	wrdreg s24  }
0xaf: {  	[dreg:$0x3] =	wrdreg s2  }
0xb0: {  	[dreg:$0x4] =	wrdreg $0x9  }
0xb1: {  	_ =	task.clear_ibuf [dreg:s7], $0x5FFFF;
	_ =	strace $0x90000046  }
0xb2: {  	s29 =	simm.s32 $0x9;
	_ =	strace $0x80000048  }
0xb3: {  	_ =	swait.ge [sflag:s29], $0x1  }
0xb4: {  	[sflag:s29] =	ssyncadd.s32 $0xFFFFFFFF  }
0xb5: {  	_ =	strace $0x90000048  }
0xb6: {  	_ =	sfence  }
0xb7: {  	s30 =	sld [smem:$0x0];
	_ =	sdelay $0x2  }
0xb8: {  	s31 =	sshll.u32 s1, $0xD;
	s1 =	sshrl.u32 s1, $0x2  }
0xb9: {  	s3 =	sand.u32 $0x4000, s31;
	s1 =	sadd.s32 s1, s30  }
0xba: {  	s0 =	sor.u32 s3, s0;
	s1 =	sshll.u32 s1, $0x11  }
0xbb: {  	s0 =	sor.u32 s1, s0  }
0xbc: {  	s0 =	sadd.s32 $0x8F2B, s0  }
0xbd: {  	[sflag:s0] =	ssyncadd.remote.s32 $0x1  }
0xbe: {  	_ =	sfence.sel $0xFFFF  }
0xbf: {  	[dreg:$0x0] =	wrdreg $0xFFFFFFFF;
	(pc) =	sbr.abs _section_cstart, $3  }
0xc0: {  	[dreg:$0x1] =	wrdreg $0xFFFFFFFF  }
0xc1: {  	_ =	task.clear_ibuf [dreg:s7], $0x2FFFF;
	_ =	strace $0x9FFFFFFF  }
0xc2: {  	(tm) =	ssettm $0x7FFFFFFF  }
0xc3: {  	_ =	shalt  }
tec
execute0_lowered:
.L_overlay_start_1:
0x0: {  	(tag) =	ssettag $0x1  }
0x1: {  	s3 =	rddreg [dreg:$0x0]  }
0x2: {  	s1 =	rddreg [dreg:$0x1]  }
0x3: {  	s0 =	rddreg [dreg:$0x2];
	s2 =	simm.s32 $0x0  }
0x4: {  	s4 =	srdreg.scid;
	s8 =	simm.s32 $0x400;
	s9 =	simm.s32 $0x1  }
0x5: {  	s10 =	simm.s32 $0xC000;
	s11 =	simm.s32 $0xE000;
	s12 =	simm.s32 $0x6000  }
.Ltmp0:
0x6: {  	s13 =	simm.s32 $0x0;
	s5 =	sand.u32 $0x1, s4;
	(pc) =	sbr.rel .LBB2_1-.Ltmp0, $4  }
0x7: {  	v0 =	vlaneseq.u32;
	[smem:$0x7FF] =	sst s2;
	s4 =	sadd.s32 $0x800, s3;
	s6 =	ssub.s32 $0x2, s5  }
0x8: {  	v2 =	vimm.s32 $0x0;
	s3 =	stileid.u32;
	v1 =	vmul.u32 $0x80, v0;
	_ =	strace $0x80000047;
	s7 =	sshrl.u32 s6, $0x1  }
0x9: {  	v3 =	vimm.s32 $0x1;
	v8 =	vimm.f32 $0.0e+00;
	v7 =	vmul.u32 $0x100, v0;
	s31 =	sshll.u32 s3, $0x8;
	s5 =	sshll.u32 s5, $0x7;
	s6 =	ssub.s32 s6, s7  }
0xa: {  	s5 =	sor.u32 s5, s31;
	v4 =	vor.u32 $0x800, v1;
	v5 =	vor.u32 $0x1000, v1;
	v6 =	vor.u32 $0x1800, v1;
	s7 =	simm.s32 $0x80;
	s6 =	smax.u32 s6, $0x1  }
.LBB2_38:
0xb: {  	s13 =	sadd.s32 $0x1, s13  }
0xc: {  	p0 =	sne.s32 s13, s6  }
.Ltmp1:
0xd: {  	_ = 	snop;
	(pc) =	sbr.rel @!p0 .LBB2_39-.Ltmp1, $1  }
0xe: {  	_ =	sdelay $0x3  }
.LBB2_1:
.Ltmp2:
0xf: {  	(pc) =	sbr.rel .LBB2_2-.Ltmp2, $2  }
0x10: {  	_ =	sdelay $0x2  }
0x11: {  	s14 =	simm.s32 $0x0  }
.LBB2_37:
0x12: {  	s14 =	sadd.s32 $0x1, s14  }
0x13: {  	p0 =	sne.s32 s14, $0x80  }
.Ltmp3:
0x14: {  	s15 =	sadd.s32 s1, s15;
	(pc) =	sbr.rel @!p0 .LBB2_38-.Ltmp3, $4  }
0x15: {  	[hbm4b:s15+s7] =	stream.strided.scatter [tilespmem:s12], [sflag:$0x1], $0x6000, s8, s7, $0x38;
	[tilespmem:$0x10000] =	vst v63  }
0x16: {  	_ =	swait.ge [sflag:s9], $0x6000  }
0x17: {  	[sflag:s9] =	ssyncset.done $0x0  }
0x18: {  	[sflag:s9] =	ssyncadd.s32 $0xFFFFA000  }
.LBB2_2:
0x19: {  	s15 =	sadd.s32 s5, s14  }
0x1a: {  	s15 =	sshrl.u32 s15, $0x3  }
0x1b: {  	s16 =	sshll.u32 s14, $0x7;
	s15 =	smul.u32 $0x30000, s15  }
0x1c: {  	s16 =	sand.u32 $0x380, s16  }
0x1d: {  	s15 =	sor.u32 s16, s15  }
0x1e: {  	s15 =	sshrl.u32 s15, $0x3  }
0x1f: {  	s31 =	sadd.s32 s4, s15  }
0x20: {  	[tilespmem:s2], [sflag:$0x1] =	stream.strided.gather [hbm4b:s31+s7], $0x6000, s8, s7, $0x38;
	[tilespmem:$0x10000] =	vst v63  }
0x21: {  	_ =	swait.ge [sflag:s9], $0x6000  }
0x22: {  	[sflag:s9] =	ssyncset.done $0x0  }
0x23: {  	s16 =	simm.s32 $0xC040;
	[sflag:s9] =	ssyncadd.s32 $0xFFFFA000  }
0x24: {  	[tilespmem:s16+$0xFFFFFFC0] =	vst v2  }
0x25: {  	[tilespmem:s16+$0x30] =	vst v2  }
0x26: {  	[tilespmem:s16+$0x20] =	vst v2  }
0x27: {  	[tilespmem:s16+$0x10] =	vst v2  }
0x28: {  	[tilespmem:s16+$0x0] =	vst v2  }
0x29: {  	[tilespmem:s16+$0xFFFFFFF0] =	vst v2  }
0x2a: {  	s17 =	simm.s32 $0x0;
	[tilespmem:s16+$0xFFFFFFE0] =	vst v2  }
.LBB2_3:
0x2b: {  	s17 =	sadd.s32 $0x8, s17;
	[tilespmem:s16+$0xFFFFFFD0] =	vst v2;
	s16 =	sadd.s32 $0x80, s16;
	v10 =	vimm.s32 $0x80000000  }
0x2c: {  	[tilespmem:s16+$0xFFFFFFC0] =	vst v2;
	p0 =	slt.u32 s17, $0x1F8  }
0x2d: {  	[tilespmem:s16+$0x30] =	vst v2  }
.Ltmp4:
0x2e: {  	[tilespmem:s16+$0x20] =	vst v2;
	(pc) =	sbr.rel @p0 .LBB2_3-.Ltmp4, $4  }
0x2f: {  	[tilespmem:s16+$0x10] =	vst v2  }
0x30: {  	[tilespmem:s16+$0x0] =	vst v2  }
0x31: {  	[tilespmem:s16+$0xFFFFFFF0] =	vst v2  }
0x32: {  	[tilespmem:s16+$0xFFFFFFE0] =	vst v2  }
0x33: {  	[tilespmem:s16+$0xFFFFFFD0] =	vst v2;
	s31 =	simm.s32 $0x40  }
0x34: {  	v9 =	vld [tilespmem:s31+$0xFFFFFFC0];
	_ =	sdelay $0x1  }
0x35: {  	v11 =	vld [tilespmem:s31+$0xFFFFFFD0];
	_ =	sdelay $0x2  }
0x36: {  	v12 =	vshra.s32 v9, $0x1F  }
0x37: {  	v13 =	vld [tilespmem:s31+$0xFFFFFFE0];
	v12 =	vand.u32 $0x7FFFFFFF, v12  }
0x38: {  	v14 =	vshra.s32 v11, $0x1F;
	v9 =	vxor.u32 v9, v12  }
0x39: {  	v14 =	vand.u32 $0x7FFFFFFF, v14;
	vm1 =	vgt.s32 v10, v9  }
0x3a: {  	v16 =	vld [tilespmem:s31+$0xFFFFFFF0];
	v12 =	vshrl.u32 v9, $0x18;
	vm0 =	vgt.s32 v9, $0x0;
	v15 =	vsel vm1, v10, v9  }
0x3b: {  	v9 =	vand.u32 $0x7F, v12;
	v12 =	vsel vm0, v15, v10;
	v10 =	vxor.u32 v11, v14  }
0x3c: {  	v14 =	vshra.s32 v13, $0x1F;
	v11 =	vshrl.u32 v10, $0x18;
	vm2 =	vgt.s32 v12, v10  }
0x3d: {  	v17 =	vld [tilespmem:s31+$0x0];
	vm1 =	vgt.s32 v10, $0x0;
	v14 =	vand.u32 $0x7FFFFFFF, v14;
	v15 =	vsel vm2, v12, v10  }
0x3e: {  	v10 =	vand.u32 $0x7F, v11;
	v11 =	vxor.u32 v13, v14;
	v12 =	vsel vm1, v15, v12  }
0x3f: {  	v14 =	vshra.s32 v16, $0x1F;
	v13 =	vshrl.u32 v11, $0x18;
	vm3 =	vgt.s32 v12, v11  }
0x40: {  	v18 =	vld [tilespmem:s31+$0x10];
	vm2 =	vgt.s32 v11, $0x0;
	v14 =	vand.u32 $0x7FFFFFFF, v14;
	v15 =	vsel vm3, v12, v11  }
0x41: {  	v11 =	vand.u32 $0x7F, v13;
	v13 =	vsel vm2, v15, v12;
	v12 =	vxor.u32 v16, v14  }
0x42: {  	v15 =	vshra.s32 v17, $0x1F;
	v14 =	vshrl.u32 v12, $0x18;
	vm4 =	vgt.s32 v13, v12  }
0x43: {  	v19 =	vld [tilespmem:s31+$0x20];
	vm3 =	vgt.s32 v12, $0x0;
	v15 =	vand.u32 $0x7FFFFFFF, v15;
	v16 =	vsel vm4, v13, v12  }
0x44: {  	v12 =	vand.u32 $0x7F, v14;
	v14 =	vsel vm3, v16, v13;
	v13 =	vxor.u32 v17, v15  }
0x45: {  	v15 =	vshra.s32 v18, $0x1F;
	v16 =	vshrl.u32 v13, $0x18;
	vm5 =	vgt.s32 v14, v13  }
0x46: {  	vm4 =	vgt.s32 v13, $0x0;
	v20 =	vand.u32 $0x7FFFFFFF, v15;
	v15 =	vld [tilespmem:s31+$0x30];
	v17 =	vsel vm5, v14, v13  }
0x47: {  	v13 =	vand.u32 $0x7F, v16;
	v16 =	vsel vm4, v17, v14;
	v14 =	vxor.u32 v18, v20  }
0x48: {  	v18 =	vshra.s32 v19, $0x1F;
	v17 =	vshrl.u32 v14, $0x18;
	vm6 =	vgt.s32 v16, v14  }
0x49: {  	vm5 =	vgt.s32 v14, $0x0;
	v18 =	vand.u32 $0x7FFFFFFF, v18;
	v20 =	vsel vm6, v16, v14  }
0x4a: {  	v14 =	vand.u32 $0x7F, v17;
	v18 =	vxor.u32 v19, v18;
	v17 =	vsel vm5, v20, v16  }
0x4b: {  	s16 =	simm.s32 $0x0;
	s17 =	simm.s32 $0xC0;
	v16 =	vshrl.u32 v18, $0x18;
	v19 =	vshra.s32 v15, $0x1F;
	vm7 =	vgt.s32 v17, v18  }
.LBB2_5:
0x4c: {  	v20 =	vld [tilespmem:s17+$0xFFFFFFC0];
	s16 =	sadd.s32 $0x8, s16;
	vm6 =	vgt.s32 v18, $0x0;
	v18 =	vsel vm7, v17, v18;
	v19 =	vand.u32 $0x7FFFFFFF, v19  }
0x4d: {  	v16 =	vand.u32 $0x7F, v16;
	p0 =	slt.u32 s16, $0x5F8;
	v17 =	vsel vm6, v18, v17;
	v15 =	vxor.u32 v15, v19  }
0x4e: {  	v9 =	vor.u32 v1, v9;
	v18 =	vshrl.u32 v15, $0x18;
	vm8 =	vgt.s32 v17, v15  }
0x4f: {  	vm7 =	vgt.s32 v15, $0x0;
	v19 =	vld [tilespmem:s17+$0xFFFFFFD0];
	v18 =	vand.u32 $0x7F, v18;
	v15 =	vsel vm8, v17, v15  }
0x50: {  	v10 =	vor.u32 v4, v10;
	v11 =	vor.u32 v5, v11;
	v15 =	vsel vm7, v15, v17  }
0x51: {  	v12 =	vor.u32 v6, v12;
	v13 =	vor.u32 v1, v13;
	v17 =	vshra.s32 v20, $0x1F  }
0x52: {  	v14 =	vor.u32 v4, v14;
	v16 =	vor.u32 v5, v16;
	v17 =	vand.u32 $0x7FFFFFFF, v17;
	v21 =	vld [tilespmem:s17+$0xFFFFFFE0]  }
0x53: {  	v18 =	vor.u32 v6, v18;
	v17 =	vxor.u32 v20, v17;
	[tilespmem:v9+s10+$0x0] =	vst.idx.add.s32.msk vm0, v3  }
0x54: {  	v9 =	vshrl.u32 v17, $0x18;
	vm8 =	vgt.s32 v15, v17;
	v20 =	vshra.s32 v19, $0x1F  }
0x55: {  	vm0 =	vgt.s32 v17, $0x0;
	v17 =	vsel vm8, v15, v17;
	v20 =	vand.u32 $0x7FFFFFFF, v20;
	v22 =	vld [tilespmem:s17+$0xFFFFFFF0]  }
0x56: {  	v9 =	vand.u32 $0x7F, v9;
	v15 =	vsel vm0, v17, v15;
	v17 =	vxor.u32 v19, v20;
	[tilespmem:v10+s10+$0x0] =	vst.idx.add.s32.msk vm1, v3  }
0x57: {  	v10 =	vshrl.u32 v17, $0x18;
	vm8 =	vgt.s32 v15, v17;
	v19 =	vshra.s32 v21, $0x1F;
	[tilespmem:v11+s10+$0x0] =	vst.idx.add.s32.msk vm2, v3  }
0x58: {  	vm1 =	vgt.s32 v17, $0x0;
	v11 =	vsel vm8, v15, v17;
	v17 =	vand.u32 $0x7FFFFFFF, v19;
	v19 =	vld [tilespmem:s17+$0x0]  }
0x59: {  	v10 =	vand.u32 $0x7F, v10;
	v15 =	vsel vm1, v11, v15;
	v11 =	vxor.u32 v21, v17;
	[tilespmem:v12+s10+$0x0] =	vst.idx.add.s32.msk vm3, v3  }
0x5a: {  	v12 =	vshrl.u32 v11, $0x18;
	vm3 =	vgt.s32 v15, v11;
	v17 =	vshra.s32 v22, $0x1F;
	[tilespmem:v13+s10+$0x0] =	vst.idx.add.s32.msk vm4, v3  }
0x5b: {  	vm2 =	vgt.s32 v11, $0x0;
	v13 =	vsel vm3, v15, v11;
	v17 =	vand.u32 $0x7FFFFFFF, v17;
	v20 =	vld [tilespmem:s17+$0x10]  }
0x5c: {  	v11 =	vand.u32 $0x7F, v12;
	v13 =	vsel vm2, v13, v15;
	v12 =	vxor.u32 v22, v17;
	[tilespmem:v14+s10+$0x0] =	vst.idx.add.s32.msk vm5, v3  }
0x5d: {  	v14 =	vshrl.u32 v12, $0x18;
	vm4 =	vgt.s32 v13, v12;
	v15 =	vshra.s32 v19, $0x1F;
	[tilespmem:v16+s10+$0x0] =	vst.idx.add.s32.msk vm6, v3  }
0x5e: {  	vm3 =	vgt.s32 v12, $0x0;
	v16 =	vsel vm4, v13, v12;
	v15 =	vand.u32 $0x7FFFFFFF, v15;
	v21 =	vld [tilespmem:s17+$0x20]  }
0x5f: {  	v12 =	vand.u32 $0x7F, v14;
	v14 =	vsel vm3, v16, v13;
	v13 =	vxor.u32 v19, v15;
	[tilespmem:v18+s10+$0x0] =	vst.idx.add.s32.msk vm7, v3  }
0x60: {  	v16 =	vshrl.u32 v13, $0x18;
	vm5 =	vgt.s32 v14, v13;
	v15 =	vshra.s32 v20, $0x1F  }
0x61: {  	vm4 =	vgt.s32 v13, $0x0;
	v17 =	vsel vm5, v14, v13;
	v18 =	vand.u32 $0x7FFFFFFF, v15;
	v15 =	vld [tilespmem:s17+$0x30]  }
.Ltmp5:
0x62: {  	v13 =	vand.u32 $0x7F, v16;
	v16 =	vsel vm4, v17, v14;
	v14 =	vxor.u32 v20, v18;
	(pc) =	sbr.rel @p0 .LBB2_5-.Ltmp5, $4  }
0x63: {  	v17 =	vshrl.u32 v14, $0x18;
	vm6 =	vgt.s32 v16, v14;
	v18 =	vshra.s32 v21, $0x1F  }
0x64: {  	vm5 =	vgt.s32 v14, $0x0;
	v19 =	vsel vm6, v16, v14;
	v18 =	vand.u32 $0x7FFFFFFF, v18  }
0x65: {  	v14 =	vand.u32 $0x7F, v17;
	v17 =	vsel vm5, v19, v16;
	v18 =	vxor.u32 v21, v18  }
0x66: {  	s17 =	sadd.s32 $0x80, s17;
	v16 =	vshrl.u32 v18, $0x18;
	vm7 =	vgt.s32 v17, v18;
	v19 =	vshra.s32 v15, $0x1F  }
0x67: {  	vm6 =	vgt.s32 v18, $0x0;
	v62 =	vsel vm7, v17, v18;
	v19 =	vand.u32 $0x7FFFFFFF, v19  }
0x68: {  	v17 =	vsel vm6, v62, v17;
	v15 =	vxor.u32 v15, v19  }
0x69: {  	vm15 =	vgt.s32 v17, v15  }
0x6a: {  	vm8 =	vgt.s32 v15, $0x0;
	v18 =	vsel vm15, v17, v15  }
0x6b: {  	v17 =	vsel vm8, v18, v17  }
0x6c: {  	v17 =	vxor.u32 $0x80000000, v17  }
0x6d: {  	(xrf0) =	vmax.scan.msk.u32 $0xffff, v17;
	_ =	sdelay $0x5  }
0x6e: {  	v17, _, _ =	vpop (xrf0)  }
0x6f: {  	(v2sf) =	vpush v17, $0xF;
	_ =	sdelay $0xb  }
0x70: {  	v9 =	vor.u32 v1, v9  }
0x71: {  	v10 =	vor.u32 v4, v10  }
0x72: {  	v11 =	vor.u32 v5, v11  }
0x73: {  	v12 =	vor.u32 v6, v12;
	s16 =	spop (v2sf)  }
0x74: {  	v13 =	vor.u32 v1, v13;
	s16 =	sxor.u32 $0x80000000, s16  }
0x75: {  	v16 =	vand.u32 $0x7F, v16;
	v14 =	vor.u32 v4, v14;
	v15 =	vshrl.u32 v15, $0x18;
	[tilespmem:v9+s10+$0x0] =	vst.idx.add.s32.msk vm0, v3;
	p0 =	slt.s32 s16, $0x1;
	s16 =	sshra.s32 s16, $0x1C  }
0x76: {  	v63 =	vor.u32 v5, v16;
	v9 =	vand.u32 $0x7F, v15;
	[tilespmem:v10+s10+$0x0] =	vst.idx.add.s32.msk vm1, v3;
	p1 =	slt.s32 @!p0 s16, $0x0  }
0x77: {  	[tilespmem:v11+s10+$0x0] =	vst.idx.add.s32.msk vm2, v3;
	v9 =	vor.u32 v6, v9;
	p1 =	por p0, p1  }
.Ltmp6:
0x78: {  	[tilespmem:v12+s10+$0x0] =	vst.idx.add.s32.msk vm3, v3;
	(pc) =	sbr.rel @p1 .LBB2_7-.Ltmp6, $4  }
0x79: {  	[tilespmem:v13+s10+$0x0] =	vst.idx.add.s32.msk vm4, v3  }
0x7a: {  	[tilespmem:v14+s10+$0x0] =	vst.idx.add.s32.msk vm5, v3  }
0x7b: {  	[tilespmem:v63+s10+$0x0] =	vst.idx.add.s32.msk vm6, v3  }
0x7c: {  	[tilespmem:v9+s10+$0x0] =	vst.idx.add.s32.msk vm8, v3  }
0x7d: {  	s17 =	sshll.u32 s16, $0x6;
	s18 =	ssub.s32 $0x0, s16  }
0x7e: {  	s19 =	sshll.u32 s16, $0x4;
	s16 =	simm.s32 $0x0;
	s17 =	sshra.s32 s17, $0x2  }
0x7f: {  	s21 =	simm.s32 $0x0;
	s20 =	sadd.s32 $0xC000, s17;
	s17 =	simm.s32 $0x40  }
.LBB2_9:
0x80: {  	v9 =	vld [tilespmem:s20+$0x0];
	s22 =	sand.u32 $0x70, s19  }
0x81: {  	v10 =	vld [tilespmem:s22+$0xC080]  }
0x82: {  	v11 =	vld [tilespmem:s22+$0xC100]  }
0x83: {  	v12 =	vld [tilespmem:s22+$0xC180]  }
0x84: {  	v13 =	vld [tilespmem:s22+$0xC200]  }
0x85: {  	v14 =	vld [tilespmem:s22+$0xC280]  }
0x86: {  	v9 =	vadd.s32 v9, v10;
	v10 =	vld [tilespmem:s22+$0xC300]  }
0x87: {  	v9 =	vadd.s32 v11, v9;
	v11 =	vld [tilespmem:s22+$0xC380]  }
0x88: {  	v30 =	vld [tilespmem:s22+$0xC400];
	v9 =	vadd.s32 v12, v9  }
0x89: {  	v31 =	vld [tilespmem:s22+$0xC480];
	v9 =	vadd.s32 v13, v9  }
0x8a: {  	v32 =	vld [tilespmem:s22+$0xC500];
	v9 =	vadd.s32 v14, v9  }
0x8b: {  	v9 =	vadd.s32 v10, v9;
	v10 =	vld [tilespmem:s22+$0xC580]  }
0x8c: {  	v9 =	vadd.s32 v11, v9;
	v11 =	vld [tilespmem:s22+$0xC600]  }
0x8d: {  	v33 =	vld [tilespmem:s22+$0xC680];
	v9 =	vadd.s32 v30, v9  }
0x8e: {  	v34 =	vld [tilespmem:s22+$0xC700];
	v9 =	vadd.s32 v31, v9  }
0x8f: {  	v35 =	vld [tilespmem:s22+$0xC780];
	v9 =	vadd.s32 v32, v9  }
0x90: {  	v9 =	vadd.s32 v10, v9;
	v10 =	vld [tilespmem:s22+$0xC800]  }
0x91: {  	v9 =	vadd.s32 v11, v9;
	v11 =	vld [tilespmem:s22+$0xC880]  }
0x92: {  	v36 =	vld [tilespmem:s22+$0xC900];
	v9 =	vadd.s32 v33, v9  }
0x93: {  	v37 =	vld [tilespmem:s22+$0xC980];
	v9 =	vadd.s32 v34, v9  }
0x94: {  	v38 =	vld [tilespmem:s22+$0xCA00];
	v9 =	vadd.s32 v35, v9  }
0x95: {  	v9 =	vadd.s32 v10, v9;
	v10 =	vld [tilespmem:s22+$0xCA80]  }
0x96: {  	v9 =	vadd.s32 v11, v9;
	v11 =	vld [tilespmem:s22+$0xCB00]  }
0x97: {  	v39 =	vld [tilespmem:s22+$0xCB80];
	v9 =	vadd.s32 v36, v9  }
0x98: {  	v40 =	vld [tilespmem:s22+$0xCC00];
	v9 =	vadd.s32 v37, v9  }
0x99: {  	v41 =	vld [tilespmem:s22+$0xCC80];
	v9 =	vadd.s32 v38, v9  }
0x9a: {  	v9 =	vadd.s32 v10, v9;
	v10 =	vld [tilespmem:s22+$0xCD00]  }
0x9b: {  	v9 =	vadd.s32 v11, v9;
	v11 =	vld [tilespmem:s22+$0xCD80]  }
0x9c: {  	v42 =	vld [tilespmem:s22+$0xCE00];
	v9 =	vadd.s32 v39, v9  }
0x9d: {  	v43 =	vld [tilespmem:s22+$0xCE80];
	v9 =	vadd.s32 v40, v9  }
0x9e: {  	v44 =	vld [tilespmem:s22+$0xCF00];
	v9 =	vadd.s32 v41, v9  }
0x9f: {  	v9 =	vadd.s32 v10, v9;
	v10 =	vld [tilespmem:s22+$0xCF80]  }
0xa0: {  	v9 =	vadd.s32 v11, v9;
	v11 =	vld [tilespmem:s22+$0xD000]  }
0xa1: {  	v45 =	vld [tilespmem:s22+$0xD080];
	v9 =	vadd.s32 v42, v9  }
0xa2: {  	v46 =	vld [tilespmem:s22+$0xD100];
	v9 =	vadd.s32 v43, v9  }
0xa3: {  	v47 =	vld [tilespmem:s22+$0xD180];
	v9 =	vadd.s32 v44, v9  }
0xa4: {  	v9 =	vadd.s32 v10, v9;
	v10 =	vld [tilespmem:s22+$0xD200]  }
0xa5: {  	v9 =	vadd.s32 v11, v9;
	v11 =	vld [tilespmem:s22+$0xD280]  }
0xa6: {  	v48 =	vld [tilespmem:s22+$0xD300];
	v9 =	vadd.s32 v45, v9  }
0xa7: {  	v49 =	vld [tilespmem:s22+$0xD380];
	v9 =	vadd.s32 v46, v9  }
0xa8: {  	v50 =	vld [tilespmem:s22+$0xD400];
	v9 =	vadd.s32 v47, v9  }
0xa9: {  	v9 =	vadd.s32 v10, v9;
	v10 =	vld [tilespmem:s22+$0xD480]  }
0xaa: {  	v9 =	vadd.s32 v11, v9;
	v11 =	vld [tilespmem:s22+$0xD500]  }
0xab: {  	v51 =	vld [tilespmem:s22+$0xD580];
	v9 =	vadd.s32 v48, v9  }
0xac: {  	v52 =	vld [tilespmem:s22+$0xD600];
	v9 =	vadd.s32 v49, v9  }
0xad: {  	v53 =	vld [tilespmem:s22+$0xD680];
	v9 =	vadd.s32 v50, v9  }
0xae: {  	v9 =	vadd.s32 v10, v9;
	v10 =	vld [tilespmem:s22+$0xD700]  }
0xaf: {  	v9 =	vadd.s32 v11, v9;
	v11 =	vld [tilespmem:s22+$0xD780]  }
0xb0: {  	v54 =	vld [tilespmem:s22+$0xD800];
	v9 =	vadd.s32 v51, v9  }
0xb1: {  	v55 =	vld [tilespmem:s22+$0xD880];
	v9 =	vadd.s32 v52, v9  }
0xb2: {  	v56 =	vld [tilespmem:s22+$0xD900];
	v9 =	vadd.s32 v53, v9  }
0xb3: {  	v9 =	vadd.s32 v10, v9;
	v10 =	vld [tilespmem:s22+$0xD980]  }
0xb4: {  	v9 =	vadd.s32 v11, v9;
	v11 =	vld [tilespmem:s22+$0xDA00]  }
0xb5: {  	v57 =	vld [tilespmem:s22+$0xDA80];
	v9 =	vadd.s32 v54, v9  }
0xb6: {  	v58 =	vld [tilespmem:s22+$0xDB00];
	v9 =	vadd.s32 v55, v9  }
0xb7: {  	v59 =	vld [tilespmem:s22+$0xDB80];
	v9 =	vadd.s32 v56, v9  }
0xb8: {  	v9 =	vadd.s32 v10, v9;
	v10 =	vld [tilespmem:s22+$0xDC00]  }
0xb9: {  	v9 =	vadd.s32 v11, v9;
	v11 =	vld [tilespmem:s22+$0xDC80]  }
0xba: {  	v60 =	vld [tilespmem:s22+$0xDD00];
	v9 =	vadd.s32 v57, v9  }
0xbb: {  	v61 =	vld [tilespmem:s22+$0xDD80];
	v9 =	vadd.s32 v58, v9  }
0xbc: {  	v62 =	vld [tilespmem:s22+$0xDE00];
	v9 =	vadd.s32 v59, v9  }
0xbd: {  	v9 =	vadd.s32 v10, v9;
	v10 =	vld [tilespmem:s22+$0xDE80]  }
0xbe: {  	v9 =	vadd.s32 v11, v9;
	v11 =	vld [tilespmem:s22+$0xDF00]  }
0xbf: {  	v63 =	vld [tilespmem:s22+$0xDF80];
	v9 =	vadd.s32 v60, v9  }
0xc0: {  	v9 =	vadd.s32 v61, v9  }
0xc1: {  	v9 =	vadd.s32 v62, v9  }
0xc2: {  	v9 =	vadd.s32 v10, v9  }
0xc3: {  	v9 =	vadd.s32 v11, v9  }
0xc4: {  	v9 =	vadd.s32 v63, v9  }
0xc5: {  	(xrf0) =	vadd.scan.msk.s32 $0xffff, v9;
	_ =	sdelay $0x5  }
0xc6: {  	v10, _, _ =	vpop (xrf0)  }
0xc7: {  	v9 =	vadd.s32 s21, v9;
	v11 =	vbroadcast v10, $0xF  }
0xc8: {  	v9 =	vsub.s32 v9, v10  }
0xc9: {  	v9 =	vadd.s32 v11, v9  }
0xca: {  	vm0 =	vge.s32 v9, s17  }
0xcb: {  	v9 =	vxor.u32 $0x80000000, v9;
	v11 =	vsel vm0, $0x1, v2  }
0xcc: {  	v9 =	vsel vm0, $0x80000000, v9;
	(xrf0) =	vadd.scan.msk.s32 $0xffff, v11  }
0xcd: {  	(xrf0) =	vmax.scan.msk.u32 $0xffff, v9;
	_ =	sdelay $0x4  }
0xce: {  	(v2sf) =	vpush v10, $0xF;
	v9, _, _ =	vpop (xrf0)  }
0xcf: {  	(v2sf) =	vpush v9, $0xF;
	v9, _, _ =	vpop (xrf0)  }
0xd0: {  	(v2sf) =	vpush v9, $0xF;
	_ =	sdelay $0xc  }
0xd1: {  	s31 =	spop (v2sf)  }
0xd2: {  	s23 =	spop (v2sf)  }
0xd3: {  	s24 =	spop (v2sf)  }
0xd4: {  	s22 =	sadd.s32 s21, s31;
	s24 =	sxor.u32 $0x80000000, s24  }
0xd5: {  	p6 =	seq.s32 s18, $0x0;
	p0 =	sge.s32 s22, s17;
	p1 =	sgt.s32 s24, s21  }
0xd6: {  	s22 =	smov.u32 @p0 s21;
	s21 =	smov.u32 @p1 s24;
	p1 =	por p6, p0  }
.Ltmp7:
0xd7: {  	s23 =	sadd.s32 s19, s23;
	(pc) =	sbr.rel @!p1 .LBB2_9-.Ltmp7, $4  }
0xd8: {  	s23 =	sshll.u32 s23, $0x18  }
0xd9: {  	s18 =	sadd.s32 $0x1, s18;
	s20 =	sadd.s32 $0xFFFFFFF0, s20;
	s23 =	sadd.s32 $0xFF000000, s23  }
0xda: {  	s19 =	sadd.s32 $0xFFFFFFF0, s19;
	s23 =	simm.s32 @!p0 $0x0;
	s21 =	simm.s32 @!p0 $0x0  }
0xdb: {  	s16 =	sor.u32 s16, s23;
	s17 =	ssub.s32 s17, s21;
	s21 =	smov.u32 s22  }
.Ltmp8:
0xdc: {  	(pc) =	sbr.rel .LBB2_11-.Ltmp8, $4  }
0xdd: {  	_ = 	snop  }
0xde: {  	p1 =	sgt.s32 s16, $0x1;
	s18 =	smov.u32 s16  }
0xdf: {  	s19 =	sadd.s32 $0x1000000, s16;
	s18 =	simm.s32 @!p1 $0x1  }
0xe0: {  	s19 =	simm.s32 @!p0 $0x1;
	s18 =	simm.s32 @!p0 $0x1  }
.LBB2_7:
0xe1: {  	s18 =	simm.s32 $0x1;
	s16 =	simm.s32 $0x0  }
0xe2: {  	s17 =	simm.s32 $0x40;
	s19 =	simm.s32 $0x1;
	s18 =	simm.s32 @p0 $0x1  }
0xe3: {  	s16 =	simm.s32 @p0 $0x0;
	s17 =	simm.s32 @p0 $0x40;
	s19 =	simm.s32 @p0 $0x1  }
.LBB2_11:
0xe4: {  	s20 =	simm.s32 $0x40  }
0xe5: {  	v9 =	vld [tilespmem:s20+$0xFFFFFFC0];
	_ =	sdelay $0x4  }
0xe6: {  	v12 =	vld [tilespmem:s20+$0xFFFFFFD0];
	v10 =	vshra.s32 v9, $0x1F  }
0xe7: {  	v11 =	vand.u32 $0x7FFFFFFF, v10  }
0xe8: {  	v13 =	vimm.s32 $0x0;
	v10 =	vmov s19;
	v14 =	vxor.u32 v9, v11  }
0xe9: {  	vm1 =	vlt.s32 v13, $0x200;
	v11 =	vmov s18;
	vm0 =	vlt.s32 v14, v10  }
0xea: {  	vm3 =	vge.s32 v14, v11;
	vm0 =	vmand vm1, vm0  }
0xeb: {  	v15 =	vld [tilespmem:s20+$0xFFFFFFE0];
	v14 =	vshra.s32 v12, $0x1F;
	vm0 =	vmand vm3, vm0  }
0xec: {  	v14 =	vand.u32 $0x7FFFFFFF, v14;
	v16 =	vsel vm0, $0x1, v2  }
0xed: {  	v14 =	vxor.u32 v12, v14;
	v16 =	vadd.s32 v16, v13  }
0xee: {  	vm1 =	vlt.s32 v14, v10;
	vm2 =	vlt.s32 v16, $0x200  }
0xef: {  	vm4 =	vge.s32 v14, v11;
	vm1 =	vmand vm1, vm2  }
0xf0: {  	v17 =	vld [tilespmem:s20+$0xFFFFFFF0];
	v14 =	vshra.s32 v15, $0x1F;
	vm1 =	vmand vm4, vm1  }
0xf1: {  	v14 =	vand.u32 $0x7FFFFFFF, v14;
	v18 =	vsel vm1, $0x1, v2  }
0xf2: {  	v14 =	vxor.u32 v15, v14;
	v18 =	vadd.s32 v18, v16  }
0xf3: {  	s23 =	simm.s32 $0x10;
	vm2 =	vlt.s32 v14, v10;
	vm5 =	vlt.s32 v18, $0x200  }
0xf4: {  	v19 =	vld [tilespmem:s20+$0x0];
	v23 =	vor.u32 s23, v0;
	vm6 =	vge.s32 v14, v11;
	vm2 =	vmand vm2, vm5  }
0xf5: {  	v9 =	vnsel vm3, $0x0, v9;
	v14 =	vshra.s32 v17, $0x1F;
	vm2 =	vmand vm6, vm2  }
0xf6: {  	v13 =	vshll.u32 v13, $0x4;
	v14 =	vand.u32 $0x7FFFFFFF, v14;
	v20 =	vsel vm2, $0x1, v2  }
0xf7: {  	v13 =	vor.u32 v0, v13;
	v14 =	vxor.u32 v17, v14;
	v20 =	vadd.s32 v20, v18  }
0xf8: {  	vm3 =	vlt.s32 v14, v10;
	vm12 =	vge.s32 v14, v11;
	vm11 =	vlt.s32 v20, $0x200  }
0xf9: {  	s21 =	simm.s32 $0x6040;
	s22 =	simm.s32 $0x0;
	v14 =	vshll.u32 v16, $0x4;
	v16 =	vshra.s32 v19, $0x1F;
	vm3 =	vmand vm3, vm11  }
0xfa: {  	[tilespmem:s21+$0xFFFFFFC0] =	vst v9;
	v9 =	vor.u32 s22, v0;
	v16 =	vand.u32 $0x7FFFFFFF, v16;
	vm3 =	vmand vm12, vm3  }
0xfb: {  	v22 =	vld [tilespmem:s20+$0x10];
	v14 =	vor.u32 v0, v14;
	v16 =	vxor.u32 v19, v16;
	v21 =	vsel vm3, $0x1, v2  }
0xfc: {  	v12 =	vnsel vm4, $0x0, v12;
	vm13 =	vlt.s32 v16, v10;
	v21 =	vadd.s32 v21, v20  }
0xfd: {  	vm15 =	vge.s32 v16, v11;
	v18 =	vshll.u32 v18, $0x4;
	vm14 =	vlt.s32 v21, $0x200  }
0xfe: {  	[tilespmem:v13+s11+$0x0] =	vst.idx.msk vm0, v9;
	v18 =	vor.u32 v0, v18;
	v9 =	vshll.u32 v20, $0x4;
	vm4 =	vmand vm13, vm14  }
0xff: {  	[tilespmem:s21+$0xFFFFFFD0] =	vst v12;
	v15 =	vnsel vm6, $0x0, v15;
	v12 =	vor.u32 v0, v9;
	v9 =	vld [tilespmem:s20+$0x20];
	vm0 =	vmand vm15, vm4  }
0x100: {  	v17 =	vnsel vm12, $0x0, v17;
	v16 =	vshra.s32 v22, $0x1F;
	[tilespmem:v14+s11+$0x0] =	vst.idx.msk vm1, v23;
	v14 =	vsel vm0, $0x1, v2  }
0x101: {  	s29 =	simm.s32 $0x20;
	[tilespmem:s21+$0xFFFFFFE0] =	vst v15;
	v16 =	vand.u32 $0x7FFFFFFF, v16;
	v15 =	vadd.s32 v14, v21;
	v14 =	vshll.u32 v21, $0x4  }
0x102: {  	s31 =	simm.s32 $0x40;
	v13 =	vor.u32 s29, v0;
	v63 =	vxor.u32 v22, v16;
	v14 =	vor.u32 v0, v14  }
0x103: {  	s30 =	simm.s32 $0x30;
	v16 =	vor.u32 s31, v0;
	vm1 =	vlt.s32 v63, v10;
	[tilespmem:v18+s11+$0x0] =	vst.idx.msk vm2, v13;
	v18 =	vnsel vm15, $0x0, v19  }
0x104: {  	v20 =	vor.u32 s30, v0;
	[tilespmem:s21+$0x0] =	vst v18;
	v18 =	vshra.s32 v9, $0x1F;
	vm2 =	vlt.s32 v15, $0x200  }
0x105: {  	[tilespmem:s21+$0xFFFFFFF0] =	vst v17;
	v13 =	vshll.u32 v15, $0x4;
	vm1 =	vmand vm1, vm2;
	vm2 =	vge.s32 v63, v11  }
0x106: {  	s23 =	simm.s32 $0x0;
	s22 =	simm.s32 $0x70;
	[tilespmem:v12+s11+$0x0] =	vst.idx.msk vm3, v20;
	v12 =	vld [tilespmem:s20+$0x30];
	v13 =	vor.u32 v0, v13;
	v17 =	vnsel vm2, $0x0, v22;
	vm1 =	vmand vm2, vm1  }
.LBB2_12:
0x107: {  	s23 =	sadd.s32 $0x8, s23;
	[tilespmem:v14+s11+$0x0] =	vst.idx.msk vm0, v16;
	s24 =	sadd.s32 $0xFFFFFFE0, s22;
	v14 =	vsel vm1, $0x1, v2;
	v16 =	vand.u32 $0x7FFFFFFF, v18  }
0x108: {  	p0 =	slt.u32 s23, $0x5F8;
	[tilespmem:s21+$0x10] =	vst v17;
	v17 =	vor.u32 s24, v0;
	v14 =	vadd.s32 v14, v15;
	v15 =	vxor.u32 v9, v16  }
0x109: {  	vm0 =	vlt.s32 v15, v10;
	vm2 =	vlt.s32 v14, $0x200;
	v16 =	vshll.u32 v14, $0x4  }
0x10a: {  	s20 =	sadd.s32 $0x80, s20;
	vm3 =	vge.s32 v15, v11;
	vm0 =	vmand vm0, vm2;
	v15 =	vor.u32 v0, v16  }
0x10b: {  	v9 =	vnsel vm3, $0x0, v9;
	v16 =	vld [tilespmem:s20+$0xFFFFFFC0];
	vm0 =	vmand vm3, vm0;
	v18 =	vshra.s32 v12, $0x1F  }
0x10c: {  	s24 =	sadd.s32 $0xFFFFFFF0, s22;
	[tilespmem:v13+s11+$0x0] =	vst.idx.msk vm1, v17;
	v13 =	vsel vm0, $0x1, v2;
	v17 =	vand.u32 $0x7FFFFFFF, v18  }
0x10d: {  	[tilespmem:s21+$0x20] =	vst v9;
	v9 =	vor.u32 s24, v0;
	v13 =	vadd.s32 v13, v14;
	v14 =	vxor.u32 v12, v17  }
0x10e: {  	vm1 =	vlt.s32 v14, v10;
	vm2 =	vlt.s32 v13, $0x200;
	v17 =	vshll.u32 v13, $0x4  }
0x10f: {  	vm3 =	vge.s32 v14, v11;
	vm1 =	vmand vm1, vm2;
	v14 =	vor.u32 v0, v17  }
0x110: {  	v12 =	vnsel vm3, $0x0, v12;
	v17 =	vshra.s32 v16, $0x1F;
	v18 =	vld [tilespmem:s20+$0xFFFFFFD0];
	vm1 =	vmand vm3, vm1  }
0x111: {  	v17 =	vand.u32 $0x7FFFFFFF, v17;
	[tilespmem:v15+s11+$0x0] =	vst.idx.msk vm0, v9;
	v9 =	vsel vm1, $0x1, v2  }
0x112: {  	v15 =	vxor.u32 v16, v17;
	[tilespmem:s21+$0x30] =	vst v12;
	v12 =	vor.u32 s22, v0;
	v9 =	vadd.s32 v9, v13  }
0x113: {  	vm0 =	vlt.s32 v15, v10;
	vm2 =	vlt.s32 v9, $0x200;
	v13 =	vshll.u32 v9, $0x4  }
0x114: {  	vm3 =	vge.s32 v15, v11;
	vm0 =	vmand vm2, vm0;
	v13 =	vor.u32 v0, v13  }
0x115: {  	s22 =	sadd.s32 $0x80, s22;
	v15 =	vnsel vm3, $0x0, v16;
	vm0 =	vmand vm3, vm0;
	v16 =	vshra.s32 v18, $0x1F;
	v17 =	vld [tilespmem:s20+$0xFFFFFFE0]  }
0x116: {  	s21 =	sadd.s32 $0x80, s21;
	s24 =	sadd.s32 $0xFFFFFF90, s22;
	v19 =	vsel vm0, $0x1, v2;
	v16 =	vand.u32 $0x7FFFFFFF, v16;
	[tilespmem:v14+s11+$0x0] =	vst.idx.msk vm1, v12  }
0x117: {  	v12 =	vor.u32 s24, v0;
	[tilespmem:s21+$0xFFFFFFC0] =	vst v15;
	v9 =	vadd.s32 v19, v9;
	v14 =	vxor.u32 v18, v16  }
0x118: {  	vm1 =	vlt.s32 v14, v10;
	vm2 =	vlt.s32 v9, $0x200;
	v15 =	vshll.u32 v9, $0x4  }
0x119: {  	vm3 =	vge.s32 v14, v11;
	vm1 =	vmand vm1, vm2;
	v14 =	vor.u32 v0, v15  }
0x11a: {  	v15 =	vnsel vm3, $0x0, v18;
	vm1 =	vmand vm3, vm1;
	v16 =	vshra.s32 v17, $0x1F;
	v18 =	vld [tilespmem:s20+$0xFFFFFFF0]  }
0x11b: {  	s24 =	sadd.s32 $0xFFFFFFA0, s22;
	[tilespmem:v13+s11+$0x0] =	vst.idx.msk vm0, v12;
	v12 =	vsel vm1, $0x1, v2;
	v13 =	vand.u32 $0x7FFFFFFF, v16  }
0x11c: {  	[tilespmem:s21+$0xFFFFFFD0] =	vst v15;
	v15 =	vor.u32 s24, v0;
	v9 =	vadd.s32 v12, v9;
	v12 =	vxor.u32 v17, v13  }
0x11d: {  	vm0 =	vlt.s32 v12, v10;
	vm2 =	vlt.s32 v9, $0x200;
	v13 =	vshll.u32 v9, $0x4  }
0x11e: {  	vm3 =	vge.s32 v12, v11;
	vm0 =	vmand vm0, vm2;
	v12 =	vor.u32 v0, v13  }
0x11f: {  	v13 =	vnsel vm3, $0x0, v17;
	vm0 =	vmand vm3, vm0;
	v16 =	vshra.s32 v18, $0x1F;
	v17 =	vld [tilespmem:s20+$0x0]  }
0x120: {  	s24 =	sadd.s32 $0xFFFFFFB0, s22;
	[tilespmem:v14+s11+$0x0] =	vst.idx.msk vm1, v15;
	v14 =	vsel vm0, $0x1, v2;
	v15 =	vand.u32 $0x7FFFFFFF, v16  }
0x121: {  	[tilespmem:s21+$0xFFFFFFE0] =	vst v13;
	v13 =	vor.u32 s24, v0;
	v9 =	vadd.s32 v14, v9;
	v14 =	vxor.u32 v18, v15  }
0x122: {  	vm1 =	vlt.s32 v14, v10;
	vm2 =	vlt.s32 v9, $0x200;
	v15 =	vshll.u32 v9, $0x4  }
0x123: {  	vm3 =	vge.s32 v14, v11;
	vm1 =	vmand vm1, vm2;
	v15 =	vor.u32 v0, v15  }
0x124: {  	v14 =	vnsel vm3, $0x0, v18;
	vm1 =	vmand vm3, vm1;
	v16 =	vshra.s32 v17, $0x1F;
	v18 =	vld [tilespmem:s20+$0x10]  }
0x125: {  	s24 =	sadd.s32 $0xFFFFFFC0, s22;
	[tilespmem:v12+s11+$0x0] =	vst.idx.msk vm0, v13;
	v12 =	vsel vm1, $0x1, v2;
	v13 =	vand.u32 $0x7FFFFFFF, v16  }
0x126: {  	v16 =	vor.u32 s24, v0;
	[tilespmem:s21+$0xFFFFFFF0] =	vst v14;
	v12 =	vadd.s32 v12, v9;
	v9 =	vxor.u32 v17, v13  }
0x127: {  	vm0 =	vlt.s32 v9, v10;
	vm2 =	vlt.s32 v12, $0x200;
	v13 =	vshll.u32 v12, $0x4  }
0x128: {  	vm3 =	vge.s32 v9, v11;
	vm0 =	vmand vm0, vm2;
	v14 =	vor.u32 v0, v13  }
0x129: {  	v13 =	vnsel vm3, $0x0, v17;
	vm0 =	vmand vm3, vm0;
	v17 =	vshra.s32 v18, $0x1F;
	v9 =	vld [tilespmem:s20+$0x20]  }
.Ltmp9:
0x12a: {  	s24 =	sadd.s32 $0xFFFFFFD0, s22;
	[tilespmem:v15+s11+$0x0] =	vst.idx.msk vm1, v16;
	v15 =	vsel vm0, $0x1, v2;
	v17 =	vand.u32 $0x7FFFFFFF, v17;
	(pc) =	sbr.rel @p0 .LBB2_12-.Ltmp9, $4  }
0x12b: {  	v16 =	vor.u32 s24, v0;
	[tilespmem:s21+$0x0] =	vst v13;
	v15 =	vadd.s32 v15, v12;
	v12 =	vxor.u32 v18, v17  }
0x12c: {  	vm1 =	vlt.s32 v12, v10;
	vm2 =	vlt.s32 v15, $0x200;
	v13 =	vshll.u32 v15, $0x4  }
0x12d: {  	vm3 =	vge.s32 v12, v11;
	vm1 =	vmand vm1, vm2;
	v13 =	vor.u32 v0, v13  }
0x12e: {  	v17 =	vnsel vm3, $0x0, v18;
	vm1 =	vmand vm3, vm1;
	v18 =	vshra.s32 v9, $0x1F;
	v12 =	vld [tilespmem:s20+$0x30]  }
0x12f: {  	v19 =	vsel vm1, $0x1, v2;
	v18 =	vand.u32 $0x7FFFFFFF, v18  }
0x130: {  	v15 =	vadd.s32 v19, v15;
	v18 =	vxor.u32 v9, v18  }
0x131: {  	vm2 =	vlt.s32 v18, v10;
	vm3 =	vlt.s32 v15, $0x200  }
0x132: {  	vm4 =	vge.s32 v18, v11;
	vm2 =	vmand vm2, vm3  }
0x133: {  	vm2 =	vmand vm4, vm2;
	v58 =	vshra.s32 v12, $0x1F  }
0x134: {  	v59 =	vsel vm2, $0x1, v2;
	v18 =	vand.u32 $0x7FFFFFFF, v58  }
0x135: {  	v19 =	vadd.s32 v59, v15;
	v18 =	vxor.u32 v12, v18  }
0x136: {  	vm13 =	vlt.s32 v18, v10;
	vm5 =	vlt.s32 v19, $0x200  }
0x137: {  	v15 =	vshll.u32 v15, $0x4;
	vm14 =	vge.s32 v18, v11;
	vm3 =	vmand vm13, vm5  }
0x138: {  	[tilespmem:v14+s11+$0x0] =	vst.idx.msk vm0, v16;
	s20 =	sadd.s32 $0xFFFFFFE0, s22;
	v15 =	vor.u32 v0, v15;
	v60 =	vshll.u32 v19, $0x4;
	vm15 =	vmand vm14, vm3  }
0x139: {  	[tilespmem:s21+$0x10] =	vst v17;
	v61 =	vor.u32 s20, v0;
	v14 =	vor.u32 v0, v60  }
0x13a: {  	[tilespmem:v13+s11+$0x0] =	vst.idx.msk vm1, v61;
	v9 =	vnsel vm4, $0x0, v9  }
0x13b: {  	s31 =	sadd.s32 $0xFFFFFFF0, s22;
	[tilespmem:s21+$0x20] =	vst v9;
	v62 =	vnsel vm14, $0x0, v12  }
0x13c: {  	v9 =	vor.u32 s31, v0;
	[tilespmem:s21+$0x30] =	vst v62  }
0x13d: {  	v63 =	vor.u32 s22, v0;
	[tilespmem:v15+s11+$0x0] =	vst.idx.msk vm2, v9  }
0x13e: {  	s20 =	simm.s32 $0xC040;
	[tilespmem:v14+s11+$0x0] =	vst.idx.msk vm15, v63  }
0x13f: {  	[tilespmem:s20+$0xFFFFFFC0] =	vst v2  }
0x140: {  	[tilespmem:s20+$0x30] =	vst v2  }
0x141: {  	[tilespmem:s20+$0x20] =	vst v2  }
0x142: {  	[tilespmem:s20+$0x10] =	vst v2  }
0x143: {  	[tilespmem:s20+$0x0] =	vst v2  }
0x144: {  	v9 =	vsel vm15, $0x1, v2;
	[tilespmem:s20+$0xFFFFFFF0] =	vst v2  }
0x145: {  	s21 =	simm.s32 $0x0;
	v9 =	vadd.s32 v9, v19;
	[tilespmem:s20+$0xFFFFFFE0] =	vst v2  }
.LBB2_14:
0x146: {  	s21 =	sadd.s32 $0x8, s21;
	[tilespmem:s20+$0xFFFFFFD0] =	vst v2;
	s20 =	sadd.s32 $0x80, s20  }
0x147: {  	[tilespmem:s20+$0xFFFFFFC0] =	vst v2;
	p0 =	slt.u32 s21, $0xF8  }
0x148: {  	[tilespmem:s20+$0x30] =	vst v2  }
.Ltmp10:
0x149: {  	[tilespmem:s20+$0x20] =	vst v2;
	(pc) =	sbr.rel @p0 .LBB2_14-.Ltmp10, $4  }
0x14a: {  	[tilespmem:s20+$0x10] =	vst v2  }
0x14b: {  	[tilespmem:s20+$0x0] =	vst v2  }
0x14c: {  	[tilespmem:s20+$0xFFFFFFF0] =	vst v2  }
0x14d: {  	[tilespmem:s20+$0xFFFFFFE0] =	vst v2  }
0x14e: {  	v12 =	vxor.u32 $0x80000000, v9  }
0x14f: {  	(xrf0) =	vmax.scan.msk.u32 $0xffff, v12;
	_ =	sdelay $0x5  }
0x150: {  	v12, _, _ =	vpop (xrf0)  }
0x151: {  	(v2sf) =	vpush v12, $0xF;
	_ =	sdelay $0xe  }
0x152: {  	s31 =	spop (v2sf)  }
0x153: {  	[tilespmem:s20+$0xFFFFFFD0] =	vst v2;
	s20 =	sxor.u32 $0x80000000, s31  }
0x154: {  	p0 =	sgt.s32 s20, $0x0  }
.Ltmp11:
0x155: {  	_ = 	snop;
	(pc) =	sbr.rel @!p0 .LBB2_18-.Ltmp11, $1  }
0x156: {  	_ =	sdelay $0x3  }
0x157: {  	s21 =	simm.s32 $0x0;
	s22 =	simm.s32 $0xE000  }
.LBB2_17:
0x158: {  	v12 =	vld [tilespmem:s22+$0x0];
	_ =	sdelay $0x1  }
0x159: {  	vm0 =	vgt.s32 v9, s21;
	_ =	sdelay $0x5  }
0x15a: {  	v12 =	vld.idx.msk [tilespmem:v12+s2+$0x0], vm0;
	_ =	sdelay $0x4  }
0x15b: {  	v13 =	vshra.s32 v12, $0x1F  }
0x15c: {  	v13 =	vand.u32 $0x7FFFFFFF, v13  }
0x15d: {  	v12 =	vxor.u32 v12, v13  }
0x15e: {  	vm1 =	vge.s32 v12, v11;
	vm2 =	vlt.s32 v12, v10  }
0x15f: {  	v12 =	vshrl.u32 v12, $0x10;
	vm1 =	vmand vm1, vm2  }
0x160: {  	s21 =	sadd.s32 $0x1, s21;
	v12 =	vand.u32 $0xFF, v12;
	vm0 =	vmand vm0, vm1  }
0x161: {  	p0 =	sne.s32 s20, s21;
	v12 =	vor.u32 v7, v12  }
.Ltmp12:
0x162: {  	_ = 	snop;
	(pc) =	sbr.rel @p0 .LBB2_17-.Ltmp12, $2  }
0x163: {  	_ =	sdelay $0x2  }
0x164: {  	s22 =	sadd.s32 $0x10, s22;
	[tilespmem:v12+s10+$0x0] =	vst.idx.add.s32.msk vm0, v3  }
.LBB2_18:
0x165: {  	s23 =	simm.s32 $0x0;
	s21 =	simm.s32 $0xF0;
	s22 =	simm.s32 $0xC0F0  }
.LBB2_19:
0x166: {  	v10 =	vld [tilespmem:s22+$0x0];
	s24 =	sand.u32 $0xFFFFFFF0, s21  }
0x167: {  	v11 =	vld [tilespmem:s24+$0xC100]  }
0x168: {  	v12 =	vld [tilespmem:s24+$0xC200]  }
0x169: {  	v13 =	vld [tilespmem:s24+$0xC300]  }
0x16a: {  	v14 =	vld [tilespmem:s24+$0xC400]  }
0x16b: {  	v15 =	vld [tilespmem:s24+$0xC500]  }
0x16c: {  	v10 =	vadd.s32 v10, v11;
	v11 =	vld [tilespmem:s24+$0xC600]  }
0x16d: {  	v54 =	vld [tilespmem:s24+$0xC700];
	v10 =	vadd.s32 v12, v10  }
0x16e: {  	v55 =	vld [tilespmem:s24+$0xC800];
	v10 =	vadd.s32 v13, v10  }
0x16f: {  	v56 =	vld [tilespmem:s24+$0xC900];
	v10 =	vadd.s32 v14, v10  }
0x170: {  	v57 =	vld [tilespmem:s24+$0xCA00];
	v10 =	vadd.s32 v15, v10  }
0x171: {  	v10 =	vadd.s32 v11, v10;
	v11 =	vld [tilespmem:s24+$0xCB00]  }
0x172: {  	v58 =	vld [tilespmem:s24+$0xCC00];
	v10 =	vadd.s32 v54, v10  }
0x173: {  	v59 =	vld [tilespmem:s24+$0xCD00];
	v10 =	vadd.s32 v55, v10  }
0x174: {  	v60 =	vld [tilespmem:s24+$0xCE00];
	v10 =	vadd.s32 v56, v10  }
0x175: {  	v61 =	vld [tilespmem:s24+$0xCF00];
	v10 =	vadd.s32 v57, v10  }
0x176: {  	v10 =	vadd.s32 v11, v10  }
0x177: {  	v10 =	vadd.s32 v58, v10  }
0x178: {  	v10 =	vadd.s32 v59, v10  }
0x179: {  	v10 =	vadd.s32 v60, v10  }
0x17a: {  	v10 =	vadd.s32 v61, v10  }
0x17b: {  	(xrf0) =	vadd.scan.msk.s32 $0xffff, v10;
	_ =	sdelay $0x5  }
0x17c: {  	v11, _, _ =	vpop (xrf0)  }
0x17d: {  	v10 =	vadd.s32 s23, v10;
	v62 =	vbroadcast v11, $0xF  }
0x17e: {  	v10 =	vsub.s32 v10, v11  }
0x17f: {  	v10 =	vadd.s32 v62, v10  }
0x180: {  	vm0 =	vge.s32 v10, s17  }
0x181: {  	v10 =	vxor.u32 $0x80000000, v10;
	v63 =	vsel vm0, $0x1, v2  }
0x182: {  	v10 =	vsel vm0, $0x80000000, v10;
	(xrf0) =	vadd.scan.msk.s32 $0xffff, v63  }
0x183: {  	(xrf0) =	vmax.scan.msk.u32 $0xffff, v10;
	_ =	sdelay $0x4  }
0x184: {  	(v2sf) =	vpush v11, $0xF;
	v10, _, _ =	vpop (xrf0)  }
0x185: {  	(v2sf) =	vpush v10, $0xF;
	v10, _, _ =	vpop (xrf0)  }
0x186: {  	(v2sf) =	vpush v10, $0xF;
	_ =	sdelay $0xc  }
0x187: {  	s31 =	spop (v2sf)  }
0x188: {  	s25 =	spop (v2sf)  }
0x189: {  	s26 =	spop (v2sf)  }
0x18a: {  	s24 =	sadd.s32 s23, s31;
	s26 =	sxor.u32 $0x80000000, s26  }
0x18b: {  	p1 =	sge.s32 s24, s17;
	s28 =	smov.u32 s24;
	p0 =	sgt.s32 s26, s23  }
0x18c: {  	s28 =	smov.u32 @p1 s23;
	s23 =	smov.u32 @p0 s26;
	p0 =	seq.s32 s21, $0x0  }
0x18d: {  	p2 =	sge.s32 @!p0 s24, s17  }
0x18e: {  	p2 =	por p0, p2  }
.Ltmp13:
0x18f: {  	s25 =	sadd.s32 s21, s25;
	(pc) =	sbr.rel @!p2 .LBB2_19-.Ltmp13, $4  }
0x190: {  	s25 =	sshll.u32 s25, $0x10  }
0x191: {  	s22 =	sadd.s32 $0xFFFFFFF0, s22;
	s25 =	sadd.s32 $0xFFFF0000, s25  }
0x192: {  	s25 =	simm.s32 @!p1 $0x0;
	s21 =	sadd.s32 $0xFFFFFFF0, s21;
	s23 =	simm.s32 @!p1 $0x0  }
0x193: {  	s16 =	sor.u32 s16, s25;
	s17 =	ssub.s32 s17, s23;
	s23 =	smov.u32 s28  }
0x194: {  	s21 =	simm.s32 $0xC040;
	s22 =	simm.s32 $0xFFFFFFF8  }
0x195: {  	s21 =	simm.s32 @p0 $0xC040;
	s22 =	simm.s32 @p0 $0xFFFFFFF8  }
0x196: {  	[tilespmem:s21+$0xFFFFFFC0] =	vst v2;
	s22 =	sadd.s32 $0x8, s22  }
0x197: {  	[tilespmem:s21+$0x30] =	vst v2;
	p0 =	slt.u32 s22, $0xF8  }
.Ltmp14:
0x198: {  	[tilespmem:s21+$0x20] =	vst v2;
	(pc) =	sbr.rel @!p0 .LBB2_22-.Ltmp14, $4  }
0x199: {  	[tilespmem:s21+$0x10] =	vst v2  }
0x19a: {  	[tilespmem:s21+$0x0] =	vst v2  }
0x19b: {  	[tilespmem:s21+$0xFFFFFFF0] =	vst v2  }
0x19c: {  	[tilespmem:s21+$0xFFFFFFE0] =	vst v2  }
.LBB2_21:
0x19d: {  	s22 =	sadd.s32 $0x8, s22;
	[tilespmem:s21+$0xFFFFFFD0] =	vst v2;
	s21 =	sadd.s32 $0x80, s21  }
0x19e: {  	[tilespmem:s21+$0xFFFFFFC0] =	vst v2;
	p0 =	slt.u32 s22, $0xF8  }
0x19f: {  	[tilespmem:s21+$0x30] =	vst v2  }
.Ltmp15:
0x1a0: {  	[tilespmem:s21+$0x20] =	vst v2;
	(pc) =	sbr.rel @p0 .LBB2_21-.Ltmp15, $4  }
0x1a1: {  	[tilespmem:s21+$0x10] =	vst v2  }
0x1a2: {  	[tilespmem:s21+$0x0] =	vst v2  }
0x1a3: {  	[tilespmem:s21+$0xFFFFFFF0] =	vst v2  }
0x1a4: {  	[tilespmem:s21+$0xFFFFFFE0] =	vst v2  }
.LBB2_22:
0x1a5: {  	p0 =	slt.s32 s20, $0x1  }
.Ltmp16:
0x1a6: {  	_ = 	snop;
	(pc) =	sbr.rel @p0 .LBB2_25-.Ltmp16, $4  }
0x1a7: {  	_ = 	snop  }
0x1a8: {  	[tilespmem:s21+$0xFFFFFFD0] =	vst v2;
	p2 =	sgt.s32 s16, $0x1;
	s21 =	smov.u32 s16  }
0x1a9: {  	s22 =	sadd.s32 $0x10000, s16;
	s21 =	simm.s32 @!p2 $0x1  }
0x1aa: {  	s19 =	smov.u32 @p1 s22;
	s18 =	smov.u32 @p1 s21  }
0x1ab: {  	v10 =	vmov s18;
	v11 =	vmov s19;
	s21 =	simm.s32 $0x0;
	s22 =	simm.s32 $0xE000  }
.LBB2_24:
0x1ac: {  	v12 =	vld [tilespmem:s22+$0x0];
	_ =	sdelay $0x1  }
0x1ad: {  	vm0 =	vgt.s32 v9, s21;
	_ =	sdelay $0x5  }
0x1ae: {  	v12 =	vld.idx.msk [tilespmem:v12+s2+$0x0], vm0;
	_ =	sdelay $0x4  }
0x1af: {  	v13 =	vshra.s32 v12, $0x1F  }
0x1b0: {  	v13 =	vand.u32 $0x7FFFFFFF, v13  }
0x1b1: {  	v12 =	vxor.u32 v12, v13  }
0x1b2: {  	vm1 =	vge.s32 v12, v10;
	vm2 =	vlt.s32 v12, v11  }
0x1b3: {  	v12 =	vshrl.u32 v12, $0x8;
	vm1 =	vmand vm1, vm2  }
0x1b4: {  	s21 =	sadd.s32 $0x1, s21;
	v12 =	vand.u32 $0xFF, v12;
	vm0 =	vmand vm0, vm1  }
0x1b5: {  	p1 =	sne.s32 s20, s21;
	v12 =	vor.u32 v7, v12  }
.Ltmp17:
0x1b6: {  	_ = 	snop;
	(pc) =	sbr.rel @p1 .LBB2_24-.Ltmp17, $2  }
0x1b7: {  	_ =	sdelay $0x2  }
0x1b8: {  	s22 =	sadd.s32 $0x10, s22;
	[tilespmem:v12+s10+$0x0] =	vst.idx.add.s32.msk vm0, v3  }
.LBB2_25:
0x1b9: {  	s23 =	simm.s32 $0x0;
	s21 =	simm.s32 $0xF0;
	s22 =	simm.s32 $0xC0F0  }
.LBB2_26:
0x1ba: {  	v10 =	vld [tilespmem:s22+$0x0];
	s24 =	sand.u32 $0xFFFFFFF0, s21  }
0x1bb: {  	v11 =	vld [tilespmem:s24+$0xC100]  }
0x1bc: {  	v12 =	vld [tilespmem:s24+$0xC200]  }
0x1bd: {  	v13 =	vld [tilespmem:s24+$0xC300]  }
0x1be: {  	v14 =	vld [tilespmem:s24+$0xC400]  }
0x1bf: {  	v15 =	vld [tilespmem:s24+$0xC500]  }
0x1c0: {  	v10 =	vadd.s32 v10, v11;
	v11 =	vld [tilespmem:s24+$0xC600]  }
0x1c1: {  	v54 =	vld [tilespmem:s24+$0xC700];
	v10 =	vadd.s32 v12, v10  }
0x1c2: {  	v55 =	vld [tilespmem:s24+$0xC800];
	v10 =	vadd.s32 v13, v10  }
0x1c3: {  	v56 =	vld [tilespmem:s24+$0xC900];
	v10 =	vadd.s32 v14, v10  }
0x1c4: {  	v57 =	vld [tilespmem:s24+$0xCA00];
	v10 =	vadd.s32 v15, v10  }
0x1c5: {  	v10 =	vadd.s32 v11, v10;
	v11 =	vld [tilespmem:s24+$0xCB00]  }
0x1c6: {  	v58 =	vld [tilespmem:s24+$0xCC00];
	v10 =	vadd.s32 v54, v10  }
0x1c7: {  	v59 =	vld [tilespmem:s24+$0xCD00];
	v10 =	vadd.s32 v55, v10  }
0x1c8: {  	v60 =	vld [tilespmem:s24+$0xCE00];
	v10 =	vadd.s32 v56, v10  }
0x1c9: {  	v61 =	vld [tilespmem:s24+$0xCF00];
	v10 =	vadd.s32 v57, v10  }
0x1ca: {  	v10 =	vadd.s32 v11, v10  }
0x1cb: {  	v10 =	vadd.s32 v58, v10  }
0x1cc: {  	v10 =	vadd.s32 v59, v10  }
0x1cd: {  	v10 =	vadd.s32 v60, v10  }
0x1ce: {  	v10 =	vadd.s32 v61, v10  }
0x1cf: {  	(xrf0) =	vadd.scan.msk.s32 $0xffff, v10;
	_ =	sdelay $0x5  }
0x1d0: {  	v11, _, _ =	vpop (xrf0)  }
0x1d1: {  	v10 =	vadd.s32 s23, v10;
	v62 =	vbroadcast v11, $0xF  }
0x1d2: {  	v10 =	vsub.s32 v10, v11  }
0x1d3: {  	v10 =	vadd.s32 v62, v10  }
0x1d4: {  	vm0 =	vge.s32 v10, s17  }
0x1d5: {  	v10 =	vxor.u32 $0x80000000, v10;
	v63 =	vsel vm0, $0x1, v2  }
0x1d6: {  	v10 =	vsel vm0, $0x80000000, v10;
	(xrf0) =	vadd.scan.msk.s32 $0xffff, v63  }
0x1d7: {  	(xrf0) =	vmax.scan.msk.u32 $0xffff, v10;
	_ =	sdelay $0x4  }
0x1d8: {  	(v2sf) =	vpush v11, $0xF;
	v10, _, _ =	vpop (xrf0)  }
0x1d9: {  	(v2sf) =	vpush v10, $0xF;
	v10, _, _ =	vpop (xrf0)  }
0x1da: {  	(v2sf) =	vpush v10, $0xF;
	_ =	sdelay $0xc  }
0x1db: {  	s31 =	spop (v2sf)  }
0x1dc: {  	s25 =	spop (v2sf)  }
0x1dd: {  	s26 =	spop (v2sf)  }
0x1de: {  	s24 =	sadd.s32 s23, s31;
	s26 =	sxor.u32 $0x80000000, s26  }
0x1df: {  	p1 =	sge.s32 s24, s17;
	s28 =	smov.u32 s24;
	p2 =	sgt.s32 s26, s23  }
0x1e0: {  	s28 =	smov.u32 @p1 s23;
	s23 =	smov.u32 @p2 s26;
	p2 =	seq.s32 s21, $0x0  }
0x1e1: {  	p3 =	sge.s32 @!p2 s24, s17  }
0x1e2: {  	p3 =	por p2, p3  }
.Ltmp18:
0x1e3: {  	s25 =	sadd.s32 s21, s25;
	(pc) =	sbr.rel @!p3 .LBB2_26-.Ltmp18, $4  }
0x1e4: {  	s25 =	sshll.u32 s25, $0x8  }
0x1e5: {  	s22 =	sadd.s32 $0xFFFFFFF0, s22;
	s25 =	sadd.s32 $0xFFFFFF00, s25  }
0x1e6: {  	s25 =	simm.s32 @!p1 $0x0;
	s21 =	sadd.s32 $0xFFFFFFF0, s21;
	s23 =	simm.s32 @!p1 $0x0  }
0x1e7: {  	s16 =	sor.u32 s16, s25;
	s17 =	ssub.s32 s17, s23;
	s23 =	smov.u32 s28  }
0x1e8: {  	s21 =	simm.s32 $0xC040;
	s22 =	simm.s32 $0xFFFFFFF8  }
0x1e9: {  	s21 =	simm.s32 @p2 $0xC040;
	s22 =	simm.s32 @p2 $0xFFFFFFF8  }
0x1ea: {  	[tilespmem:s21+$0xFFFFFFC0] =	vst v2;
	s22 =	sadd.s32 $0x8, s22  }
0x1eb: {  	[tilespmem:s21+$0x30] =	vst v2;
	p2 =	slt.u32 s22, $0xF8  }
.Ltmp19:
0x1ec: {  	[tilespmem:s21+$0x20] =	vst v2;
	(pc) =	sbr.rel @!p2 .LBB2_29-.Ltmp19, $4  }
0x1ed: {  	[tilespmem:s21+$0x10] =	vst v2  }
0x1ee: {  	[tilespmem:s21+$0x0] =	vst v2  }
0x1ef: {  	[tilespmem:s21+$0xFFFFFFF0] =	vst v2  }
0x1f0: {  	[tilespmem:s21+$0xFFFFFFE0] =	vst v2  }
.LBB2_28:
0x1f1: {  	s22 =	sadd.s32 $0x8, s22;
	[tilespmem:s21+$0xFFFFFFD0] =	vst v2;
	s21 =	sadd.s32 $0x80, s21  }
0x1f2: {  	[tilespmem:s21+$0xFFFFFFC0] =	vst v2;
	p2 =	slt.u32 s22, $0xF8  }
0x1f3: {  	[tilespmem:s21+$0x30] =	vst v2  }
.Ltmp20:
0x1f4: {  	[tilespmem:s21+$0x20] =	vst v2;
	(pc) =	sbr.rel @p2 .LBB2_28-.Ltmp20, $4  }
0x1f5: {  	[tilespmem:s21+$0x10] =	vst v2  }
0x1f6: {  	[tilespmem:s21+$0x0] =	vst v2  }
0x1f7: {  	[tilespmem:s21+$0xFFFFFFF0] =	vst v2  }
0x1f8: {  	[tilespmem:s21+$0xFFFFFFE0] =	vst v2  }
.LBB2_29:
.Ltmp21:
0x1f9: {  	(pc) =	sbr.rel @p0 .LBB2_32-.Ltmp21, $2  }
0x1fa: {  	_ =	sdelay $0x2  }
0x1fb: {  	[tilespmem:s21+$0xFFFFFFD0] =	vst v2  }
0x1fc: {  	p2 =	sgt.s32 s16, $0x1;
	s21 =	smov.u32 s16  }
0x1fd: {  	s22 =	sadd.s32 $0x100, s16;
	s21 =	simm.s32 @!p2 $0x1  }
0x1fe: {  	s19 =	smov.u32 @p1 s22;
	s18 =	smov.u32 @p1 s21  }
0x1ff: {  	v11 =	vmov s19;
	s19 =	simm.s32 $0xE000;
	v10 =	vmov s18;
	s18 =	simm.s32 $0x0  }
.LBB2_31:
0x200: {  	v12 =	vld [tilespmem:s19+$0x0];
	_ =	sdelay $0x1  }
0x201: {  	vm0 =	vgt.s32 v9, s18;
	_ =	sdelay $0x5  }
0x202: {  	v12 =	vld.idx.msk [tilespmem:v12+s2+$0x0], vm0;
	_ =	sdelay $0x4  }
0x203: {  	v13 =	vshra.s32 v12, $0x1F  }
0x204: {  	v13 =	vand.u32 $0x7FFFFFFF, v13  }
0x205: {  	v12 =	vxor.u32 v12, v13  }
0x206: {  	vm1 =	vge.s32 v12, v10;
	vm2 =	vlt.s32 v12, v11  }
0x207: {  	vm1 =	vmand vm1, vm2  }
0x208: {  	s18 =	sadd.s32 $0x1, s18;
	v12 =	vand.u32 $0xFF, v12;
	vm0 =	vmand vm0, vm1  }
0x209: {  	p1 =	sne.s32 s20, s18;
	v12 =	vor.u32 v7, v12  }
.Ltmp22:
0x20a: {  	_ = 	snop;
	(pc) =	sbr.rel @p1 .LBB2_31-.Ltmp22, $2  }
0x20b: {  	_ =	sdelay $0x2  }
0x20c: {  	s19 =	sadd.s32 $0x10, s19;
	[tilespmem:v12+s10+$0x0] =	vst.idx.add.s32.msk vm0, v3  }
.LBB2_32:
0x20d: {  	s21 =	simm.s32 $0x0;
	s18 =	simm.s32 $0xF0;
	s19 =	simm.s32 $0xC0F0  }
.LBB2_33:
0x20e: {  	v10 =	vld [tilespmem:s19+$0x0];
	s22 =	sand.u32 $0xFFFFFFF0, s18  }
0x20f: {  	v11 =	vld [tilespmem:s22+$0xC100]  }
0x210: {  	v12 =	vld [tilespmem:s22+$0xC200]  }
0x211: {  	v13 =	vld [tilespmem:s22+$0xC300]  }
0x212: {  	v14 =	vld [tilespmem:s22+$0xC400]  }
0x213: {  	v15 =	vld [tilespmem:s22+$0xC500]  }
0x214: {  	v10 =	vadd.s32 v10, v11;
	v11 =	vld [tilespmem:s22+$0xC600]  }
0x215: {  	v54 =	vld [tilespmem:s22+$0xC700];
	v10 =	vadd.s32 v12, v10  }
0x216: {  	v55 =	vld [tilespmem:s22+$0xC800];
	v10 =	vadd.s32 v13, v10  }
0x217: {  	v56 =	vld [tilespmem:s22+$0xC900];
	v10 =	vadd.s32 v14, v10  }
0x218: {  	v57 =	vld [tilespmem:s22+$0xCA00];
	v10 =	vadd.s32 v15, v10  }
0x219: {  	v10 =	vadd.s32 v11, v10;
	v11 =	vld [tilespmem:s22+$0xCB00]  }
0x21a: {  	v58 =	vld [tilespmem:s22+$0xCC00];
	v10 =	vadd.s32 v54, v10  }
0x21b: {  	v59 =	vld [tilespmem:s22+$0xCD00];
	v10 =	vadd.s32 v55, v10  }
0x21c: {  	v60 =	vld [tilespmem:s22+$0xCE00];
	v10 =	vadd.s32 v56, v10  }
0x21d: {  	v61 =	vld [tilespmem:s22+$0xCF00];
	v10 =	vadd.s32 v57, v10  }
0x21e: {  	v10 =	vadd.s32 v11, v10  }
0x21f: {  	v10 =	vadd.s32 v58, v10  }
0x220: {  	v10 =	vadd.s32 v59, v10  }
0x221: {  	v10 =	vadd.s32 v60, v10  }
0x222: {  	v10 =	vadd.s32 v61, v10  }
0x223: {  	(xrf0) =	vadd.scan.msk.s32 $0xffff, v10;
	_ =	sdelay $0x5  }
0x224: {  	v11, _, _ =	vpop (xrf0)  }
0x225: {  	v10 =	vadd.s32 s21, v10;
	v62 =	vbroadcast v11, $0xF  }
0x226: {  	v10 =	vsub.s32 v10, v11  }
0x227: {  	v10 =	vadd.s32 v62, v10  }
0x228: {  	vm0 =	vge.s32 v10, s17  }
0x229: {  	v10 =	vxor.u32 $0x80000000, v10;
	v63 =	vsel vm0, $0x1, v2  }
0x22a: {  	v10 =	vsel vm0, $0x80000000, v10;
	(xrf0) =	vadd.scan.msk.s32 $0xffff, v63  }
0x22b: {  	(xrf0) =	vmax.scan.msk.u32 $0xffff, v10;
	_ =	sdelay $0x4  }
0x22c: {  	(v2sf) =	vpush v11, $0xF;
	v10, _, _ =	vpop (xrf0)  }
0x22d: {  	(v2sf) =	vpush v10, $0xF;
	v10, _, _ =	vpop (xrf0)  }
0x22e: {  	(v2sf) =	vpush v10, $0xF;
	_ =	sdelay $0xc  }
0x22f: {  	s31 =	spop (v2sf)  }
0x230: {  	s23 =	spop (v2sf)  }
0x231: {  	s24 =	spop (v2sf)  }
0x232: {  	s25 =	smov.u32 s21;
	s22 =	sadd.s32 s21, s31;
	s24 =	sxor.u32 $0x80000000, s24  }
0x233: {  	p1 =	sge.s32 s22, s17;
	s23 =	sadd.s32 s18, s23;
	p2 =	sgt.s32 s24, s21  }
0x234: {  	s23 =	sadd.s32 $0xFFFFFFFF, s23;
	s25 =	smov.u32 @p2 s24;
	p2 =	seq.s32 s18, $0x0  }
0x235: {  	s23 =	simm.s32 @!p1 $0x0;
	p3 =	slt.s32 @!p2 s22, s17  }
0x236: {  	s25 =	simm.s32 @!p1 $0x0;
	s22 =	smov.u32 @p1 s21;
	p1 =	por p2, !p3  }
.Ltmp23:
0x237: {  	_ = 	snop;
	(pc) =	sbr.rel @!p1 .LBB2_33-.Ltmp23, $3  }
0x238: {  	_ =	sdelay $0x1  }
0x239: {  	s19 =	sadd.s32 $0xFFFFFFF0, s19;
	s16 =	sor.u32 s16, s23  }
0x23a: {  	s18 =	sadd.s32 $0xFFFFFFF0, s18;
	s17 =	ssub.s32 s17, s25;
	s21 =	smov.u32 s22  }
.Ltmp24:
0x23b: {  	(pc) =	sbr.rel @p0 .LBB2_37-.Ltmp24, $1  }
0x23c: {  	_ =	sdelay $0x3  }
0x23d: {  	p0 =	sgt.s32 s16, $0x1  }
0x23e: {  	s16 =	simm.s32 @!p0 $0x1  }
0x23f: {  	s17 =	simm.s32 $0xE000;
	v10 =	vmov s16;
	s16 =	simm.s32 $0x0  }
.LBB2_36:
0x240: {  	v11 =	vld [tilespmem:s17+$0x0];
	_ =	sdelay $0x1  }
0x241: {  	vm0 =	vgt.s32 v9, s16;
	_ =	sdelay $0x5  }
0x242: {  	v12 =	vld.idx.msk [tilespmem:v11+s2+$0x0], vm0;
	_ =	sdelay $0x4  }
0x243: {  	v13 =	vshra.s32 v12, $0x1F  }
0x244: {  	v13 =	vand.u32 $0x7FFFFFFF, v13  }
0x245: {  	v12 =	vxor.u32 v12, v13  }
0x246: {  	vm1 =	vlt.s32 v12, v10  }
0x247: {  	s16 =	sadd.s32 $0x1, s16;
	vm0 =	vmand vm0, vm1  }
0x248: {  	p0 =	sne.s32 s20, s16  }
.Ltmp25:
0x249: {  	_ = 	snop;
	(pc) =	sbr.rel @p0 .LBB2_36-.Ltmp25, $2  }
0x24a: {  	_ =	sdelay $0x2  }
0x24b: {  	s17 =	sadd.s32 $0x10, s17;
	[tilespmem:v11+s12+$0x0] =	vst.idx.msk vm0, v8  }
.Ltmp26:
0x24c: {  	_ = 	snop;
	(pc) =	sbr.rel .LBB2_37-.Ltmp26, $1  }
0x24d: {  	_ =	sdelay $0x3  }
.LBB2_39:
0x24e: {  	_ =	sfence.sel $0x180000  }
0x24f: {  	[bflag:$0x0] =	sbarrier.arrive $0xFFFF  }
0x250: {  	p0 =	sne.s32 s3, $0x0;
	_ =	strace $0x90000047  }
0x251: {  	s0 =	sadd.s32 @!p0 $0x100000, s0;
	[bflag:$0x2] =	sbarrier.arrive $0xFFFF  }
0x252: {  	[sflag:s0] =	ssyncadd.tile.s32 @!p0 $0x1;
	_ =	shalt  }
.Lfunc_end2:
_tile_overlayer_lowered:
.L_overlay_start_2:
0x253: {  	(tag) =	ssettag $0x2  }
0x254: {  	s0 =	rddreg [dreg:$0x0];
	s2 =	stileid.u32  }
0x255: {  	s1 =	rddreg [dreg:$0x1];
	p0 =	sne.s32 s2, $0x0  }
0x256: {  	s3 =	rddreg [dreg:$0x2];
	[bflag:$0x3] =	sbarrier.arrive $0xFFFF;
	s2 =	simm.s32 @!p0 $0x1C01  }
0x257: {  	[timem:s3], [sflag:s2] =	dma.local @!p0 [hbm:s0], s1  }
0x258: {  	s0 =	simm.s32 @!p0 $0x1  }
0x259: {  	_ =	swait.ge @!p0 [sflag:s0], s1  }
0x25a: {  	s1 =	ssub.s32 @!p0 $0x0, s1;
	[sflag:s0] =	ssyncset.done @!p0 $0x0  }
0x25b: {  	[sflag:s0] =	ssyncadd.s32 @!p0 s1  }
0x25c: {  	[bflag:$0x3] =	sbarrier.arrive $0xFFFF  }
0x25d: {  	_ =	shalt  }

</sc_bundles>
